<compile_context>
chip_gen: v7x
topology: tpu7x:2x2x1
jax: 0.10.2.dev20260603
libtpu: 0.0.44.dev20260713+nightly
codegen_flags: <defaults>
</compile_context>

<pallas_src>
import functools

import jax
import jax.numpy as jnp
from jax import lax
from jax.experimental import pallas as pl
from jax.experimental.pallas import tpu as pltpu
from jax.experimental.pallas import tpu_sc as plsc

BATCH = 1024
EMBED = 64
NUM_CORES = 2
NUM_SUBCORES = 16
NUM_WORKERS = NUM_CORES * NUM_SUBCORES
ROWS_PER_WORKER = BATCH // NUM_WORKERS
LANES = 16
NBUF = 6


def _sc_gather(users, items, GuT, GiT):
    mesh = plsc.VectorSubcoreMesh(
        core_axis_name="c", subcore_axis_name="s",
        num_cores=NUM_CORES, num_subcores=NUM_SUBCORES)

    @functools.partial(
        pl.kernel,
        mesh=mesh,
        compiler_params=pltpu.CompilerParams(needs_layout_passes=False),
        out_type=(
            jax.ShapeDtypeStruct((BATCH, EMBED), jnp.float32),
            jax.ShapeDtypeStruct((BATCH, EMBED), jnp.float32),
        ),
        scratch_types=(
            pltpu.VMEM((ROWS_PER_WORKER,), jnp.int32),
            pltpu.VMEM((ROWS_PER_WORKER,), jnp.int32),
            pltpu.VMEM((NBUF, EMBED, 128), jnp.float32),
            pltpu.VMEM((NBUF, EMBED, 128), jnp.float32),
            pltpu.VMEM((ROWS_PER_WORKER, EMBED), jnp.float32),
            pltpu.VMEM((ROWS_PER_WORKER, EMBED), jnp.float32),
            pltpu.SMEM((ROWS_PER_WORKER,), jnp.int32),
            pltpu.SMEM((ROWS_PER_WORKER,), jnp.int32),
            pltpu.SMEM((ROWS_PER_WORKER,), jnp.int32),
            pltpu.SMEM((ROWS_PER_WORKER,), jnp.int32),
            pltpu.SemaphoreType.DMA,
            pltpu.SemaphoreType.DMA,
        ),
    )
    def gather_kernel(users_hbm, items_hbm, gu_hbm, gi_hbm,
                      gu_out, gi_out, uidx_v, iidx_v, ublk_v, iblk_v,
                      urows_v, irows_v, ublk_s, ulane_s, iblk_s, ilane_s,
                      usem, isem):
        wid = lax.axis_index("s") * NUM_CORES + lax.axis_index("c")
        base = wid * ROWS_PER_WORKER
        pltpu.sync_copy(users_hbm.at[pl.ds(base, ROWS_PER_WORKER)], uidx_v)
        pltpu.sync_copy(items_hbm.at[pl.ds(base, ROWS_PER_WORKER)], iidx_v)

        for c in range(ROWS_PER_WORKER // LANES):
            uvec = uidx_v[pl.ds(c * LANES, LANES)]
            ivec = iidx_v[pl.ds(c * LANES, LANES)]
            ublkv = jnp.bitwise_and(uvec, ~127)
            ulanev = jnp.bitwise_and(uvec, 127)
            iblkv = jnp.bitwise_and(ivec, ~127)
            ilanev = jnp.bitwise_and(ivec, 127)
            for k in range(LANES):
                r = c * LANES + k
                ublk_s[r] = ublkv[k]
                ulane_s[r] = ulanev[k]
                iblk_s[r] = iblkv[k]
                ilane_s[r] = ilanev[k]

        def fire(table_hbm, blk_s, blk_ref, sem, r, slot):
            blk = pl.multiple_of(blk_s[r], 128)
            pltpu.async_copy(
                table_hbm.at[:, pl.ds(blk, 128)], blk_ref.at[slot], sem)

        def drain(table_hbm, blk_ref, sem):
            pltpu.make_async_copy(
                table_hbm.at[:, pl.ds(0, 128)], blk_ref.at[0], sem).wait()

        def select(lane_s, blk_ref, rows_ref, r, slot):
            lane = jnp.full((LANES,), lane_s[r], jnp.int32)
            row = jnp.full((LANES,), r, jnp.int32)
            for k in range(EMBED // LANES):
                rid = lax.iota(jnp.int32, LANES) + k * LANES
                vals = plsc.load_gather(blk_ref.at[slot], [rid, lane])
                plsc.store_scatter(rows_ref, [row, rid], vals)

        for r in range(NBUF):
            fire(gu_hbm, ublk_s, ublk_v, usem, r, r)
            fire(gi_hbm, iblk_s, iblk_v, isem, r, r)

        def body(r, carry):
            slot = lax.rem(r, NBUF)
            drain(gu_hbm, ublk_v, usem)
            select(ulane_s, ublk_v, urows_v, r, slot)
            drain(gi_hbm, iblk_v, isem)
            select(ilane_s, iblk_v, irows_v, r, slot)

            @pl.when(r < ROWS_PER_WORKER - NBUF)
            def _():
                fire(gu_hbm, ublk_s, ublk_v, usem, r + NBUF, slot)
                fire(gi_hbm, iblk_s, iblk_v, isem, r + NBUF, slot)
            return carry

        lax.fori_loop(0, ROWS_PER_WORKER, body, 0)
        pltpu.sync_copy(urows_v, gu_out.at[pl.ds(base, ROWS_PER_WORKER)])
        pltpu.sync_copy(irows_v, gi_out.at[pl.ds(base, ROWS_PER_WORKER)])

    return gather_kernel(users, items, GuT, GiT)


def _combine_body(gu_ref, gi_ref, guT_ref, giT_ref, xuiT_ref):
    gu = gu_ref[...]
    gi = gi_ref[...]
    colsum = jnp.sum(gi, axis=0, keepdims=True)
    guT = gu.T
    guT_ref[...] = guT
    giT_ref[...] = gi.T
    xuiT_ref[...] = guT * colsum.T


def kernel(users, items, Gu, Gi):
    gamma_u, gamma_i = _sc_gather(users, items, Gu.T, Gi.T)
    guT, giT, xuiT = pl.pallas_call(
        _combine_body,
        out_shape=(
            jax.ShapeDtypeStruct((EMBED, BATCH), jnp.float32),
            jax.ShapeDtypeStruct((EMBED, BATCH), jnp.float32),
            jax.ShapeDtypeStruct((EMBED, BATCH), jnp.float32),
        ),
    )(gamma_u, gamma_i)
    return (xuiT.T, guT.T.reshape(BATCH, 1, EMBED), giT.T)

# --- scband reference (transcript-rebuilt; emitter-appended) ---
"""Pipeline reference for scband-ncrmodel-60782377173687 (READ-ONLY COPY).

The authoritative reference and input builder live on the scoring server;
editing this copy changes nothing except your own understanding.
"""

import jax, jax.numpy as jnp
import numpy as np

NUM_USERS = 100000
NUM_ITEMS = 1000000
EMBED = 64
BATCH = 1024


def _xavier_uniform(key, shape):
    fan_in, fan_out = shape[0], shape[1]
    bound = float(np.sqrt(6.0 / (fan_in + fan_out)))
    return jax.random.uniform(key, shape, minval=-bound, maxval=bound, dtype=jnp.float32)


def setup_inputs(seed: int = 0) -> dict:
    key = jax.random.key(seed)
    k1, k2, k3, k4 = jax.random.split(key, 4)
    users = jax.random.randint(k1, (BATCH,), 0, NUM_USERS, dtype=jnp.int32)
    items = jax.random.randint(k2, (BATCH,), 0, NUM_ITEMS, dtype=jnp.int32)
    Gu = _xavier_uniform(k3, (NUM_USERS, EMBED))
    Gi = _xavier_uniform(k4, (NUM_ITEMS, EMBED))
    return {"users": users, "items": items, "Gu": Gu, "Gi": Gi}


def reference(users, items, Gu, Gi):
    # gamma_u = squeeze(Gu.weight[users]); gamma_i = squeeze(Gi.weight[items])
    gamma_u = jnp.squeeze(Gu[users])
    gamma_i = jnp.squeeze(Gi[items])
    # gamma_u.view(B, 1, d)
    gamma_u = gamma_u.reshape(gamma_u.shape[0], 1, gamma_u.shape[1])
    # Faithful to torch broadcasting: (B,1,d) * (B,d) -> (B,B,d); sum over dim 1 -> (B,d)
    xui = jnp.sum(gamma_u * gamma_i, axis=1)
    return (xui, gamma_u, gamma_i)

if __name__ == "__main__":
    import jax
    _d = setup_inputs()
    print(jax.jit(kernel)(*tuple(_d.values())))

</pallas_src>

<mosaic_0001>
#map = affine_map<(d0, d1) -> (0)>
#map1 = affine_map<(d0, d1) -> (0, 0)>
module attributes {stable_mosaic.version = 14 : i64} {
  func.func @gather_kernel(%arg0: i32, %arg1: i32, %arg2: memref<1024xi32, #tpu.memory_space<hbm>>, %arg3: memref<1024xi32, #tpu.memory_space<hbm>>, %arg4: memref<64x100000xf32, #tpu.memory_space<hbm>>, %arg5: memref<64x1000000xf32, #tpu.memory_space<hbm>>, %arg6: memref<1024x64xf32, #tpu.memory_space<hbm>>, %arg7: memref<1024x64xf32, #tpu.memory_space<hbm>>, %arg8: memref<32xi32, #tpu.memory_space<vmem>>, %arg9: memref<32xi32, #tpu.memory_space<vmem>>, %arg10: memref<6x64x128xf32, #tpu.memory_space<vmem>>, %arg11: memref<6x64x128xf32, #tpu.memory_space<vmem>>, %arg12: memref<32x64xf32, #tpu.memory_space<vmem>>, %arg13: memref<32x64xf32, #tpu.memory_space<vmem>>, %arg14: memref<32xi32, #tpu.memory_space<smem>>, %arg15: memref<32xi32, #tpu.memory_space<smem>>, %arg16: memref<32xi32, #tpu.memory_space<smem>>, %arg17: memref<32xi32, #tpu.memory_space<smem>>, %arg18: memref<!tpu.dma_semaphore, #tpu.memory_space<semaphore_mem>>, %arg19: memref<!tpu.dma_semaphore, #tpu.memory_space<semaphore_mem>>) attributes {dimension_semantics = [#tpu.dimension_semantics<core_parallel>, #tpu.dimension_semantics<subcore_parallel>], iteration_bounds = array<i64: 2, 16>, scalar_prefetch = 0 : i64, scratch_operands = 12 : i64, tpu.core_type = #tpu.core_type<sc_vector_subcore>, window_params = [{transform_indices = #map}, {transform_indices = #map}, {transform_indices = #map1}, {transform_indices = #map1}, {transform_indices = #map1}, {transform_indices = #map1}]} {
    %mul3A = arith.constant 2 : i32
    %mul3A_0 = arith.muli %arg1, %mul3A : i32
    %add3A = arith.addi %mul3A_0, %arg0 : i32
    %mul3A_1 = arith.constant 32 : i32
    %mul3A_2 = arith.muli %add3A, %mul3A_1 : i32
    "tpu.region"() ({
      %run_scoped3A = tpu.sem_alloc : memref<!tpu.dma_semaphore, #tpu.memory_space<semaphore_mem>>
      %dma_start3A_877 = tpu.memref_slice %arg2[%mul3A_2] : memref<1024xi32, #tpu.memory_space<hbm>> -> memref<32xi32, #tpu.memory_space<hbm>>
      %dma_start3A_878 = tpu.memref_slice %arg2[%mul3A_2] : memref<1024xi32, #tpu.memory_space<hbm>> -> memref<32xi32, #tpu.memory_space<hbm>>
      tpu.enqueue_dma source(%dma_start3A_878 : memref<32xi32, #tpu.memory_space<hbm>>) target(%arg8 : memref<32xi32, #tpu.memory_space<vmem>>) target_semaphore(%run_scoped3A : memref<!tpu.dma_semaphore, #tpu.memory_space<semaphore_mem>>)
      %dma_wait3A = tpu.memref_slice %arg2[%mul3A_2] : memref<1024xi32, #tpu.memory_space<hbm>> -> memref<32xi32, #tpu.memory_space<hbm>>
      %dma_wait3A_879 = tpu.memref_slice %arg2[%mul3A_2] : memref<1024xi32, #tpu.memory_space<hbm>> -> memref<32xi32, #tpu.memory_space<hbm>>
      tpu.wait_dma2 semaphore(%run_scoped3A : memref<!tpu.dma_semaphore, #tpu.memory_space<semaphore_mem>>) src(%dma_wait3A_879 : memref<32xi32, #tpu.memory_space<hbm>>) dst(%arg8 : memref<32xi32, #tpu.memory_space<vmem>>)
      tpu.yield
    }) : () -> ()
    "tpu.region"() ({
      %run_scoped3A = tpu.sem_alloc : memref<!tpu.dma_semaphore, #tpu.memory_space<semaphore_mem>>
      %dma_start3A_877 = tpu.memref_slice %arg3[%mul3A_2] : memref<1024xi32, #tpu.memory_space<hbm>> -> memref<32xi32, #tpu.memory_space<hbm>>
      %dma_start3A_878 = tpu.memref_slice %arg3[%mul3A_2] : memref<1024xi32, #tpu.memory_space<hbm>> -> memref<32xi32, #tpu.memory_space<hbm>>
      tpu.enqueue_dma source(%dma_start3A_878 : memref<32xi32, #tpu.memory_space<hbm>>) target(%arg9 : memref<32xi32, #tpu.memory_space<vmem>>) target_semaphore(%run_scoped3A : memref<!tpu.dma_semaphore, #tpu.memory_space<semaphore_mem>>)
      %dma_wait3A = tpu.memref_slice %arg3[%mul3A_2] : memref<1024xi32, #tpu.memory_space<hbm>> -> memref<32xi32, #tpu.memory_space<hbm>>
      %dma_wait3A_879 = tpu.memref_slice %arg3[%mul3A_2] : memref<1024xi32, #tpu.memory_space<hbm>> -> memref<32xi32, #tpu.memory_space<hbm>>
      tpu.wait_dma2 semaphore(%run_scoped3A : memref<!tpu.dma_semaphore, #tpu.memory_space<semaphore_mem>>) src(%dma_wait3A_879 : memref<32xi32, #tpu.memory_space<hbm>>) dst(%arg9 : memref<32xi32, #tpu.memory_space<vmem>>)
      tpu.yield
    }) : () -> ()
    %get3A = arith.constant 0 : index
    %get3A_3 = tpu.vector_load %arg8[%get3A] {strides = array<i32>} : memref<32xi32, #tpu.memory_space<vmem>>, vector<16xi32>,
    %get3A_4 = arith.constant 0 : index
    %get3A_5 = tpu.vector_load %arg9[%get3A_4] {strides = array<i32>} : memref<32xi32, #tpu.memory_space<vmem>>, vector<16xi32>,
    %and3A = arith.constant -128 : i32
    %and3A_6 = vector.broadcast %and3A : i32 to vector<16xi32>
    %and3A_7 = arith.andi %get3A_3, %and3A_6 : vector<16xi32>
    %and3A_8 = arith.constant 127 : i32
    %and3A_9 = vector.broadcast %and3A_8 : i32 to vector<16xi32>
    %and3A_10 = arith.andi %get3A_3, %and3A_9 : vector<16xi32>
    %and3A_11 = arith.constant -128 : i32
    %and3A_12 = vector.broadcast %and3A_11 : i32 to vector<16xi32>
    %and3A_13 = arith.andi %get3A_5, %and3A_12 : vector<16xi32>
    %and3A_14 = arith.constant 127 : i32
    %and3A_15 = vector.broadcast %and3A_14 : i32 to vector<16xi32>
    %and3A_16 = arith.andi %get3A_5, %and3A_15 : vector<16xi32>
    %slice3A = vector.extract_strided_slice %and3A_7 {offsets = [0], sizes = [1], strides = [1]} : vector<16xi32> to vector<1xi32>
    %squeeze3A = vector.extract %slice3A[0] : i32 from vector<1xi32>
    %swap3A = arith.constant 0 : i32
    %swap3A_17 = arith.index_cast %swap3A : i32 to index
    %swap3A_18 = memref.load %arg14[%swap3A_17] : memref<32xi32, #tpu.memory_space<smem>>
    memref.store %squeeze3A, %arg14[%swap3A_17] : memref<32xi32, #tpu.memory_space<smem>>
    %slice3A_19 = vector.extract_strided_slice %and3A_10 {offsets = [0], sizes = [1], strides = [1]} : vector<16xi32> to vector<1xi32>
    %squeeze3A_20 = vector.extract %slice3A_19[0] : i32 from vector<1xi32>
    %swap3A_21 = arith.constant 0 : i32
    %swap3A_22 = arith.index_cast %swap3A_21 : i32 to index
    %swap3A_23 = memref.load %arg15[%swap3A_22] : memref<32xi32, #tpu.memory_space<smem>>
    memref.store %squeeze3A_20, %arg15[%swap3A_22] : memref<32xi32, #tpu.memory_space<smem>>
    %slice3A_24 = vector.extract_strided_slice %and3A_13 {offsets = [0], sizes = [1], strides = [1]} : vector<16xi32> to vector<1xi32>
    %squeeze3A_25 = vector.extract %slice3A_24[0] : i32 from vector<1xi32>
    %swap3A_26 = arith.constant 0 : i32
    %swap3A_27 = arith.index_cast %swap3A_26 : i32 to index
    %swap3A_28 = memref.load %arg16[%swap3A_27] : memref<32xi32, #tpu.memory_space<smem>>
    memref.store %squeeze3A_25, %arg16[%swap3A_27] : memref<32xi32, #tpu.memory_space<smem>>
    %slice3A_29 = vector.extract_strided_slice %and3A_16 {offsets = [0], sizes = [1], strides = [1]} : vector<16xi32> to vector<1xi32>
    %squeeze3A_30 = vector.extract %slice3A_29[0] : i32 from vector<1xi32>
    %swap3A_31 = arith.constant 0 : i32
    %swap3A_32 = arith.index_cast %swap3A_31 : i32 to index
    %swap3A_33 = memref.load %arg17[%swap3A_32] : memref<32xi32, #tpu.memory_space<smem>>
    memref.store %squeeze3A_30, %arg17[%swap3A_32] : memref<32xi32, #tpu.memory_space<smem>>
    %slice3A_34 = vector.extract_strided_slice %and3A_7 {offsets = [1], sizes = [1], strides = [1]} : vector<16xi32> to vector<1xi32>
    %squeeze3A_35 = vector.extract %slice3A_34[0] : i32 from vector<1xi32>
    %swap3A_36 = arith.constant 1 : i32
    %swap3A_37 = arith.index_cast %swap3A_36 : i32 to index
    %swap3A_38 = memref.load %arg14[%swap3A_37] : memref<32xi32, #tpu.memory_space<smem>>
    memref.store %squeeze3A_35, %arg14[%swap3A_37] : memref<32xi32, #tpu.memory_space<smem>>
    %slice3A_39 = vector.extract_strided_slice %and3A_10 {offsets = [1], sizes = [1], strides = [1]} : vector<16xi32> to vector<1xi32>
    %squeeze3A_40 = vector.extract %slice3A_39[0] : i32 from vector<1xi32>
    %swap3A_41 = arith.constant 1 : i32
    %swap3A_42 = arith.index_cast %swap3A_41 : i32 to index
    %swap3A_43 = memref.load %arg15[%swap3A_42] : memref<32xi32, #tpu.memory_space<smem>>
    memref.store %squeeze3A_40, %arg15[%swap3A_42] : memref<32xi32, #tpu.memory_space<smem>>
    %slice3A_44 = vector.extract_strided_slice %and3A_13 {offsets = [1], sizes = [1], strides = [1]} : vector<16xi32> to vector<1xi32>
    %squeeze3A_45 = vector.extract %slice3A_44[0] : i32 from vector<1xi32>
    %swap3A_46 = arith.constant 1 : i32
    %swap3A_47 = arith.index_cast %swap3A_46 : i32 to index
    %swap3A_48 = memref.load %arg16[%swap3A_47] : memref<32xi32, #tpu.memory_space<smem>>
    memref.store %squeeze3A_45, %arg16[%swap3A_47] : memref<32xi32, #tpu.memory_space<smem>>
    %slice3A_49 = vector.extract_strided_slice %and3A_16 {offsets = [1], sizes = [1], strides = [1]} : vector<16xi32> to vector<1xi32>
    %squeeze3A_50 = vector.extract %slice3A_49[0] : i32 from vector<1xi32>
    %swap3A_51 = arith.constant 1 : i32
    %swap3A_52 = arith.index_cast %swap3A_51 : i32 to index
    %swap3A_53 = memref.load %arg17[%swap3A_52] : memref<32xi32, #tpu.memory_space<smem>>
    memref.store %squeeze3A_50, %arg17[%swap3A_52] : memref<32xi32, #tpu.memory_space<smem>>
    %slice3A_54 = vector.extract_strided_slice %and3A_7 {offsets = [2], sizes = [1], strides = [1]} : vector<16xi32> to vector<1xi32>
    %squeeze3A_55 = vector.extract %slice3A_54[0] : i32 from vector<1xi32>
    %swap3A_56 = arith.constant 2 : i32
    %swap3A_57 = arith.index_cast %swap3A_56 : i32 to index
    %swap3A_58 = memref.load %arg14[%swap3A_57] : memref<32xi32, #tpu.memory_space<smem>>
    memref.store %squeeze3A_55, %arg14[%swap3A_57] : memref<32xi32, #tpu.memory_space<smem>>
    %slice3A_59 = vector.extract_strided_slice %and3A_10 {offsets = [2], sizes = [1], strides = [1]} : vector<16xi32> to vector<1xi32>
    %squeeze3A_60 = vector.extract %slice3A_59[0] : i32 from vector<1xi32>
    %swap3A_61 = arith.constant 2 : i32
    %swap3A_62 = arith.index_cast %swap3A_61 : i32 to index
    %swap3A_63 = memref.load %arg15[%swap3A_62] : memref<32xi32, #tpu.memory_space<smem>>
    memref.store %squeeze3A_60, %arg15[%swap3A_62] : memref<32xi32, #tpu.memory_space<smem>>
    %slice3A_64 = vector.extract_strided_slice %and3A_13 {offsets = [2], sizes = [1], strides = [1]} : vector<16xi32> to vector<1xi32>
    %squeeze3A_65 = vector.extract %slice3A_64[0] : i32 from vector<1xi32>
    %swap3A_66 = arith.constant 2 : i32
    %swap3A_67 = arith.index_cast %swap3A_66 : i32 to index
    %swap3A_68 = memref.load %arg16[%swap3A_67] : memref<32xi32, #tpu.memory_space<smem>>
    memref.store %squeeze3A_65, %arg16[%swap3A_67] : memref<32xi32, #tpu.memory_space<smem>>
    %slice3A_69 = vector.extract_strided_slice %and3A_16 {offsets = [2], sizes = [1], strides = [1]} : vector<16xi32> to vector<1xi32>
    %squeeze3A_70 = vector.extract %slice3A_69[0] : i32 from vector<1xi32>
    %swap3A_71 = arith.constant 2 : i32
    %swap3A_72 = arith.index_cast %swap3A_71 : i32 to index
    %swap3A_73 = memref.load %arg17[%swap3A_72] : memref<32xi32, #tpu.memory_space<smem>>
    memref.store %squeeze3A_70, %arg17[%swap3A_72] : memref<32xi32, #tpu.memory_space<smem>>
    %slice3A_74 = vector.extract_strided_slice %and3A_7 {offsets = [3], sizes = [1], strides = [1]} : vector<16xi32> to vector<1xi32>
    %squeeze3A_75 = vector.extract %slice3A_74[0] : i32 from vector<1xi32>
    %swap3A_76 = arith.constant 3 : i32
    %swap3A_77 = arith.index_cast %swap3A_76 : i32 to index
    %swap3A_78 = memref.load %arg14[%swap3A_77] : memref<32xi32, #tpu.memory_space<smem>>
    memref.store %squeeze3A_75, %arg14[%swap3A_77] : memref<32xi32, #tpu.memory_space<smem>>
    %slice3A_79 = vector.extract_strided_slice %and3A_10 {offsets = [3], sizes = [1], strides = [1]} : vector<16xi32> to vector<1xi32>
    %squeeze3A_80 = vector.extract %slice3A_79[0] : i32 from vector<1xi32>
    %swap3A_81 = arith.constant 3 : i32
    %swap3A_82 = arith.index_cast %swap3A_81 : i32 to index
    %swap3A_83 = memref.load %arg15[%swap3A_82] : memref<32xi32, #tpu.memory_space<smem>>
    memref.store %squeeze3A_80, %arg15[%swap3A_82] : memref<32xi32, #tpu.memory_space<smem>>
    %slice3A_84 = vector.extract_strided_slice %and3A_13 {offsets = [3], sizes = [1], strides = [1]} : vector<16xi32> to vector<1xi32>
    %squeeze3A_85 = vector.extract %slice3A_84[0] : i32 from vector<1xi32>
    %swap3A_86 = arith.constant 3 : i32
    %swap3A_87 = arith.index_cast %swap3A_86 : i32 to index
    %swap3A_88 = memref.load %arg16[%swap3A_87] : memref<32xi32, #tpu.memory_space<smem>>
    memref.store %squeeze3A_85, %arg16[%swap3A_87] : memref<32xi32, #tpu.memory_space<smem>>
    %slice3A_89 = vector.extract_strided_slice %and3A_16 {offsets = [3], sizes = [1], strides = [1]} : vector<16xi32> to vector<1xi32>
    %squeeze3A_90 = vector.extract %slice3A_89[0] : i32 from vector<1xi32>
    %swap3A_91 = arith.constant 3 : i32
    %swap3A_92 = arith.index_cast %swap3A_91 : i32 to index
    %swap3A_93 = memref.load %arg17[%swap3A_92] : memref<32xi32, #tpu.memory_space<smem>>
    memref.store %squeeze3A_90, %arg17[%swap3A_92] : memref<32xi32, #tpu.memory_space<smem>>
    %slice3A_94 = vector.extract_strided_slice %and3A_7 {offsets = [4], sizes = [1], strides = [1]} : vector<16xi32> to vector<1xi32>
    %squeeze3A_95 = vector.extract %slice3A_94[0] : i32 from vector<1xi32>
    %swap3A_96 = arith.constant 4 : i32
    %swap3A_97 = arith.index_cast %swap3A_96 : i32 to index
    %swap3A_98 = memref.load %arg14[%swap3A_97] : memref<32xi32, #tpu.memory_space<smem>>
    memref.store %squeeze3A_95, %arg14[%swap3A_97] : memref<32xi32, #tpu.memory_space<smem>>
    %slice3A_99 = vector.extract_strided_slice %and3A_10 {offsets = [4], sizes = [1], strides = [1]} : vector<16xi32> to vector<1xi32>
    %squeeze3A_100 = vector.extract %slice3A_99[0] : i32 from vector<1xi32>
    %swap3A_101 = arith.constant 4 : i32
    %swap3A_102 = arith.index_cast %swap3A_101 : i32 to index
    %swap3A_103 = memref.load %arg15[%swap3A_102] : memref<32xi32, #tpu.memory_space<smem>>
    memref.store %squeeze3A_100, %arg15[%swap3A_102] : memref<32xi32, #tpu.memory_space<smem>>
    %slice3A_104 = vector.extract_strided_slice %and3A_13 {offsets = [4], sizes = [1], strides = [1]} : vector<16xi32> to vector<1xi32>
    %squeeze3A_105 = vector.extract %slice3A_104[0] : i32 from vector<1xi32>
    %swap3A_106 = arith.constant 4 : i32
    %swap3A_107 = arith.index_cast %swap3A_106 : i32 to index
    %swap3A_108 = memref.load %arg16[%swap3A_107] : memref<32xi32, #tpu.memory_space<smem>>
    memref.store %squeeze3A_105, %arg16[%swap3A_107] : memref<32xi32, #tpu.memory_space<smem>>
    %slice3A_109 = vector.extract_strided_slice %and3A_16 {offsets = [4], sizes = [1], strides = [1]} : vector<16xi32> to vector<1xi32>
    %squeeze3A_110 = vector.extract %slice3A_109[0] : i32 from vector<1xi32>
    %swap3A_111 = arith.constant 4 : i32
    %swap3A_112 = arith.index_cast %swap3A_111 : i32 to index
    %swap3A_113 = memref.load %arg17[%swap3A_112] : memref<32xi32, #tpu.memory_space<smem>>
    memref.store %squeeze3A_110, %arg17[%swap3A_112] : memref<32xi32, #tpu.memory_space<smem>>
    %slice3A_114 = vector.extract_strided_slice %and3A_7 {offsets = [5], sizes = [1], strides = [1]} : vector<16xi32> to vector<1xi32>
    %squeeze3A_115 = vector.extract %slice3A_114[0] : i32 from vector<1xi32>
    %swap3A_116 = arith.constant 5 : i32
    %swap3A_117 = arith.index_cast %swap3A_116 : i32 to index
    %swap3A_118 = memref.load %arg14[%swap3A_117] : memref<32xi32, #tpu.memory_space<smem>>
    memref.store %squeeze3A_115, %arg14[%swap3A_117] : memref<32xi32, #tpu.memory_space<smem>>
    %slice3A_119 = vector.extract_strided_slice %and3A_10 {offsets = [5], sizes = [1], strides = [1]} : vector<16xi32> to vector<1xi32>
    %squeeze3A_120 = vector.extract %slice3A_119[0] : i32 from vector<1xi32>
    %swap3A_121 = arith.constant 5 : i32
    %swap3A_122 = arith.index_cast %swap3A_121 : i32 to index
    %swap3A_123 = memref.load %arg15[%swap3A_122] : memref<32xi32, #tpu.memory_space<smem>>
    memref.store %squeeze3A_120, %arg15[%swap3A_122] : memref<32xi32, #tpu.memory_space<smem>>
    %slice3A_124 = vector.extract_strided_slice %and3A_13 {offsets = [5], sizes = [1], strides = [1]} : vector<16xi32> to vector<1xi32>
    %squeeze3A_125 = vector.extract %slice3A_124[0] : i32 from vector<1xi32>
    %swap3A_126 = arith.constant 5 : i32
    %swap3A_127 = arith.index_cast %swap3A_126 : i32 to index
    %swap3A_128 = memref.load %arg16[%swap3A_127] : memref<32xi32, #tpu.memory_space<smem>>
    memref.store %squeeze3A_125, %arg16[%swap3A_127] : memref<32xi32, #tpu.memory_space<smem>>
    %slice3A_129 = vector.extract_strided_slice %and3A_16 {offsets = [5], sizes = [1], strides = [1]} : vector<16xi32> to vector<1xi32>
    %squeeze3A_130 = vector.extract %slice3A_129[0] : i32 from vector<1xi32>
    %swap3A_131 = arith.constant 5 : i32
    %swap3A_132 = arith.index_cast %swap3A_131 : i32 to index
    %swap3A_133 = memref.load %arg17[%swap3A_132] : memref<32xi32, #tpu.memory_space<smem>>
    memref.store %squeeze3A_130, %arg17[%swap3A_132] : memref<32xi32, #tpu.memory_space<smem>>
    %slice3A_134 = vector.extract_strided_slice %and3A_7 {offsets = [6], sizes = [1], strides = [1]} : vector<16xi32> to vector<1xi32>
    %squeeze3A_135 = vector.extract %slice3A_134[0] : i32 from vector<1xi32>
    %swap3A_136 = arith.constant 6 : i32
    %swap3A_137 = arith.index_cast %swap3A_136 : i32 to index
    %swap3A_138 = memref.load %arg14[%swap3A_137] : memref<32xi32, #tpu.memory_space<smem>>
    memref.store %squeeze3A_135, %arg14[%swap3A_137] : memref<32xi32, #tpu.memory_space<smem>>
    %slice3A_139 = vector.extract_strided_slice %and3A_10 {offsets = [6], sizes = [1], strides = [1]} : vector<16xi32> to vector<1xi32>
    %squeeze3A_140 = vector.extract %slice3A_139[0] : i32 from vector<1xi32>
    %swap3A_141 = arith.constant 6 : i32
    %swap3A_142 = arith.index_cast %swap3A_141 : i32 to index
    %swap3A_143 = memref.load %arg15[%swap3A_142] : memref<32xi32, #tpu.memory_space<smem>>
    memref.store %squeeze3A_140, %arg15[%swap3A_142] : memref<32xi32, #tpu.memory_space<smem>>
    %slice3A_144 = vector.extract_strided_slice %and3A_13 {offsets = [6], sizes = [1], strides = [1]} : vector<16xi32> to vector<1xi32>
    %squeeze3A_145 = vector.extract %slice3A_144[0] : i32 from vector<1xi32>
    %swap3A_146 = arith.constant 6 : i32
    %swap3A_147 = arith.index_cast %swap3A_146 : i32 to index
    %swap3A_148 = memref.load %arg16[%swap3A_147] : memref<32xi32, #tpu.memory_space<smem>>
    memref.store %squeeze3A_145, %arg16[%swap3A_147] : memref<32xi32, #tpu.memory_space<smem>>
    %slice3A_149 = vector.extract_strided_slice %and3A_16 {offsets = [6], sizes = [1], strides = [1]} : vector<16xi32> to vector<1xi32>
    %squeeze3A_150 = vector.extract %slice3A_149[0] : i32 from vector<1xi32>
    %swap3A_151 = arith.constant 6 : i32
    %swap3A_152 = arith.index_cast %swap3A_151 : i32 to index
    %swap3A_153 = memref.load %arg17[%swap3A_152] : memref<32xi32, #tpu.memory_space<smem>>
    memref.store %squeeze3A_150, %arg17[%swap3A_152] : memref<32xi32, #tpu.memory_space<smem>>
    %slice3A_154 = vector.extract_strided_slice %and3A_7 {offsets = [7], sizes = [1], strides = [1]} : vector<16xi32> to vector<1xi32>
    %squeeze3A_155 = vector.extract %slice3A_154[0] : i32 from vector<1xi32>
    %swap3A_156 = arith.constant 7 : i32
    %swap3A_157 = arith.index_cast %swap3A_156 : i32 to index
    %swap3A_158 = memref.load %arg14[%swap3A_157] : memref<32xi32, #tpu.memory_space<smem>>
    memref.store %squeeze3A_155, %arg14[%swap3A_157] : memref<32xi32, #tpu.memory_space<smem>>
    %slice3A_159 = vector.extract_strided_slice %and3A_10 {offsets = [7], sizes = [1], strides = [1]} : vector<16xi32> to vector<1xi32>
    %squeeze3A_160 = vector.extract %slice3A_159[0] : i32 from vector<1xi32>
    %swap3A_161 = arith.constant 7 : i32
    %swap3A_162 = arith.index_cast %swap3A_161 : i32 to index
    %swap3A_163 = memref.load %arg15[%swap3A_162] : memref<32xi32, #tpu.memory_space<smem>>
    memref.store %squeeze3A_160, %arg15[%swap3A_162] : memref<32xi32, #tpu.memory_space<smem>>
    %slice3A_164 = vector.extract_strided_slice %and3A_13 {offsets = [7], sizes = [1], strides = [1]} : vector<16xi32> to vector<1xi32>
    %squeeze3A_165 = vector.extract %slice3A_164[0] : i32 from vector<1xi32>
    %swap3A_166 = arith.constant 7 : i32
    %swap3A_167 = arith.index_cast %swap3A_166 : i32 to index
    %swap3A_168 = memref.load %arg16[%swap3A_167] : memref<32xi32, #tpu.memory_space<smem>>
    memref.store %squeeze3A_165, %arg16[%swap3A_167] : memref<32xi32, #tpu.memory_space<smem>>
    %slice3A_169 = vector.extract_strided_slice %and3A_16 {offsets = [7], sizes = [1], strides = [1]} : vector<16xi32> to vector<1xi32>
    %squeeze3A_170 = vector.extract %slice3A_169[0] : i32 from vector<1xi32>
    %swap3A_171 = arith.constant 7 : i32
    %swap3A_172 = arith.index_cast %swap3A_171 : i32 to index
    %swap3A_173 = memref.load %arg17[%swap3A_172] : memref<32xi32, #tpu.memory_space<smem>>
    memref.store %squeeze3A_170, %arg17[%swap3A_172] : memref<32xi32, #tpu.memory_space<smem>>
    %slice3A_174 = vector.extract_strided_slice %and3A_7 {offsets = [8], sizes = [1], strides = [1]} : vector<16xi32> to vector<1xi32>
    %squeeze3A_175 = vector.extract %slice3A_174[0] : i32 from vector<1xi32>
    %swap3A_176 = arith.constant 8 : i32
    %swap3A_177 = arith.index_cast %swap3A_176 : i32 to index
    %swap3A_178 = memref.load %arg14[%swap3A_177] : memref<32xi32, #tpu.memory_space<smem>>
    memref.store %squeeze3A_175, %arg14[%swap3A_177] : memref<32xi32, #tpu.memory_space<smem>>
    %slice3A_179 = vector.extract_strided_slice %and3A_10 {offsets = [8], sizes = [1], strides = [1]} : vector<16xi32> to vector<1xi32>
    %squeeze3A_180 = vector.extract %slice3A_179[0] : i32 from vector<1xi32>
    %swap3A_181 = arith.constant 8 : i32
    %swap3A_182 = arith.index_cast %swap3A_181 : i32 to index
    %swap3A_183 = memref.load %arg15[%swap3A_182] : memref<32xi32, #tpu.memory_space<smem>>
    memref.store %squeeze3A_180, %arg15[%swap3A_182] : memref<32xi32, #tpu.memory_space<smem>>
    %slice3A_184 = vector.extract_strided_slice %and3A_13 {offsets = [8], sizes = [1], strides = [1]} : vector<16xi32> to vector<1xi32>
    %squeeze3A_185 = vector.extract %slice3A_184[0] : i32 from vector<1xi32>
    %swap3A_186 = arith.constant 8 : i32
    %swap3A_187 = arith.index_cast %swap3A_186 : i32 to index
    %swap3A_188 = memref.load %arg16[%swap3A_187] : memref<32xi32, #tpu.memory_space<smem>>
    memref.store %squeeze3A_185, %arg16[%swap3A_187] : memref<32xi32, #tpu.memory_space<smem>>
    %slice3A_189 = vector.extract_strided_slice %and3A_16 {offsets = [8], sizes = [1], strides = [1]} : vector<16xi32> to vector<1xi32>
    %squeeze3A_190 = vector.extract %slice3A_189[0] : i32 from vector<1xi32>
    %swap3A_191 = arith.constant 8 : i32
    %swap3A_192 = arith.index_cast %swap3A_191 : i32 to index
    %swap3A_193 = memref.load %arg17[%swap3A_192] : memref<32xi32, #tpu.memory_space<smem>>
    memref.store %squeeze3A_190, %arg17[%swap3A_192] : memref<32xi32, #tpu.memory_space<smem>>
    %slice3A_194 = vector.extract_strided_slice %and3A_7 {offsets = [9], sizes = [1], strides = [1]} : vector<16xi32> to vector<1xi32>
    %squeeze3A_195 = vector.extract %slice3A_194[0] : i32 from vector<1xi32>
    %swap3A_196 = arith.constant 9 : i32
    %swap3A_197 = arith.index_cast %swap3A_196 : i32 to index
    %swap3A_198 = memref.load %arg14[%swap3A_197] : memref<32xi32, #tpu.memory_space<smem>>
    memref.store %squeeze3A_195, %arg14[%swap3A_197] : memref<32xi32, #tpu.memory_space<smem>>
    %slice3A_199 = vector.extract_strided_slice %and3A_10 {offsets = [9], sizes = [1], strides = [1]} : vector<16xi32> to vector<1xi32>
    %squeeze3A_200 = vector.extract %slice3A_199[0] : i32 from vector<1xi32>
    %swap3A_201 = arith.constant 9 : i32
    %swap3A_202 = arith.index_cast %swap3A_201 : i32 to index
    %swap3A_203 = memref.load %arg15[%swap3A_202] : memref<32xi32, #tpu.memory_space<smem>>
    memref.store %squeeze3A_200, %arg15[%swap3A_202] : memref<32xi32, #tpu.memory_space<smem>>
    %slice3A_204 = vector.extract_strided_slice %and3A_13 {offsets = [9], sizes = [1], strides = [1]} : vector<16xi32> to vector<1xi32>
    %squeeze3A_205 = vector.extract %slice3A_204[0] : i32 from vector<1xi32>
    %swap3A_206 = arith.constant 9 : i32
    %swap3A_207 = arith.index_cast %swap3A_206 : i32 to index
    %swap3A_208 = memref.load %arg16[%swap3A_207] : memref<32xi32, #tpu.memory_space<smem>>
    memref.store %squeeze3A_205, %arg16[%swap3A_207] : memref<32xi32, #tpu.memory_space<smem>>
    %slice3A_209 = vector.extract_strided_slice %and3A_16 {offsets = [9], sizes = [1], strides = [1]} : vector<16xi32> to vector<1xi32>
    %squeeze3A_210 = vector.extract %slice3A_209[0] : i32 from vector<1xi32>
    %swap3A_211 = arith.constant 9 : i32
    %swap3A_212 = arith.index_cast %swap3A_211 : i32 to index
    %swap3A_213 = memref.load %arg17[%swap3A_212] : memref<32xi32, #tpu.memory_space<smem>>
    memref.store %squeeze3A_210, %arg17[%swap3A_212] : memref<32xi32, #tpu.memory_space<smem>>
    %slice3A_214 = vector.extract_strided_slice %and3A_7 {offsets = [10], sizes = [1], strides = [1]} : vector<16xi32> to vector<1xi32>
    %squeeze3A_215 = vector.extract %slice3A_214[0] : i32 from vector<1xi32>
    %swap3A_216 = arith.constant 10 : i32
    %swap3A_217 = arith.index_cast %swap3A_216 : i32 to index
    %swap3A_218 = memref.load %arg14[%swap3A_217] : memref<32xi32, #tpu.memory_space<smem>>
    memref.store %squeeze3A_215, %arg14[%swap3A_217] : memref<32xi32, #tpu.memory_space<smem>>
    %slice3A_219 = vector.extract_strided_slice %and3A_10 {offsets = [10], sizes = [1], strides = [1]} : vector<16xi32> to vector<1xi32>
    %squeeze3A_220 = vector.extract %slice3A_219[0] : i32 from vector<1xi32>
    %swap3A_221 = arith.constant 10 : i32
    %swap3A_222 = arith.index_cast %swap3A_221 : i32 to index
    %swap3A_223 = memref.load %arg15[%swap3A_222] : memref<32xi32, #tpu.memory_space<smem>>
    memref.store %squeeze3A_220, %arg15[%swap3A_222] : memref<32xi32, #tpu.memory_space<smem>>
    %slice3A_224 = vector.extract_strided_slice %and3A_13 {offsets = [10], sizes = [1], strides = [1]} : vector<16xi32> to vector<1xi32>
    %squeeze3A_225 = vector.extract %slice3A_224[0] : i32 from vector<1xi32>
    %swap3A_226 = arith.constant 10 : i32
    %swap3A_227 = arith.index_cast %swap3A_226 : i32 to index
    %swap3A_228 = memref.load %arg16[%swap3A_227] : memref<32xi32, #tpu.memory_space<smem>>
    memref.store %squeeze3A_225, %arg16[%swap3A_227] : memref<32xi32, #tpu.memory_space<smem>>
    %slice3A_229 = vector.extract_strided_slice %and3A_16 {offsets = [10], sizes = [1], strides = [1]} : vector<16xi32> to vector<1xi32>
    %squeeze3A_230 = vector.extract %slice3A_229[0] : i32 from vector<1xi32>
    %swap3A_231 = arith.constant 10 : i32
    %swap3A_232 = arith.index_cast %swap3A_231 : i32 to index
    %swap3A_233 = memref.load %arg17[%swap3A_232] : memref<32xi32, #tpu.memory_space<smem>>
    memref.store %squeeze3A_230, %arg17[%swap3A_232] : memref<32xi32, #tpu.memory_space<smem>>
    %slice3A_234 = vector.extract_strided_slice %and3A_7 {offsets = [11], sizes = [1], strides = [1]} : vector<16xi32> to vector<1xi32>
    %squeeze3A_235 = vector.extract %slice3A_234[0] : i32 from vector<1xi32>
    %swap3A_236 = arith.constant 11 : i32
    %swap3A_237 = arith.index_cast %swap3A_236 : i32 to index
    %swap3A_238 = memref.load %arg14[%swap3A_237] : memref<32xi32, #tpu.memory_space<smem>>
    memref.store %squeeze3A_235, %arg14[%swap3A_237] : memref<32xi32, #tpu.memory_space<smem>>
    %slice3A_239 = vector.extract_strided_slice %and3A_10 {offsets = [11], sizes = [1], strides = [1]} : vector<16xi32> to vector<1xi32>
    %squeeze3A_240 = vector.extract %slice3A_239[0] : i32 from vector<1xi32>
    %swap3A_241 = arith.constant 11 : i32
    %swap3A_242 = arith.index_cast %swap3A_241 : i32 to index
    %swap3A_243 = memref.load %arg15[%swap3A_242] : memref<32xi32, #tpu.memory_space<smem>>
    memref.store %squeeze3A_240, %arg15[%swap3A_242] : memref<32xi32, #tpu.memory_space<smem>>
    %slice3A_244 = vector.extract_strided_slice %and3A_13 {offsets = [11], sizes = [1], strides = [1]} : vector<16xi32> to vector<1xi32>
    %squeeze3A_245 = vector.extract %slice3A_244[0] : i32 from vector<1xi32>
    %swap3A_246 = arith.constant 11 : i32
    %swap3A_247 = arith.index_cast %swap3A_246 : i32 to index
    %swap3A_248 = memref.load %arg16[%swap3A_247] : memref<32xi32, #tpu.memory_space<smem>>
    memref.store %squeeze3A_245, %arg16[%swap3A_247] : memref<32xi32, #tpu.memory_space<smem>>
    %slice3A_249 = vector.extract_strided_slice %and3A_16 {offsets = [11], sizes = [1], strides = [1]} : vector<16xi32> to vector<1xi32>
    %squeeze3A_250 = vector.extract %slice3A_249[0] : i32 from vector<1xi32>
    %swap3A_251 = arith.constant 11 : i32
    %swap3A_252 = arith.index_cast %swap3A_251 : i32 to index
    %swap3A_253 = memref.load %arg17[%swap3A_252] : memref<32xi32, #tpu.memory_space<smem>>
    memref.store %squeeze3A_250, %arg17[%swap3A_252] : memref<32xi32, #tpu.memory_space<smem>>
    %slice3A_254 = vector.extract_strided_slice %and3A_7 {offsets = [12], sizes = [1], strides = [1]} : vector<16xi32> to vector<1xi32>
    %squeeze3A_255 = vector.extract %slice3A_254[0] : i32 from vector<1xi32>
    %swap3A_256 = arith.constant 12 : i32
    %swap3A_257 = arith.index_cast %swap3A_256 : i32 to index
    %swap3A_258 = memref.load %arg14[%swap3A_257] : memref<32xi32, #tpu.memory_space<smem>>
    memref.store %squeeze3A_255, %arg14[%swap3A_257] : memref<32xi32, #tpu.memory_space<smem>>
    %slice3A_259 = vector.extract_strided_slice %and3A_10 {offsets = [12], sizes = [1], strides = [1]} : vector<16xi32> to vector<1xi32>
    %squeeze3A_260 = vector.extract %slice3A_259[0] : i32 from vector<1xi32>
    %swap3A_261 = arith.constant 12 : i32
    %swap3A_262 = arith.index_cast %swap3A_261 : i32 to index
    %swap3A_263 = memref.load %arg15[%swap3A_262] : memref<32xi32, #tpu.memory_space<smem>>
    memref.store %squeeze3A_260, %arg15[%swap3A_262] : memref<32xi32, #tpu.memory_space<smem>>
    %slice3A_264 = vector.extract_strided_slice %and3A_13 {offsets = [12], sizes = [1], strides = [1]} : vector<16xi32> to vector<1xi32>
    %squeeze3A_265 = vector.extract %slice3A_264[0] : i32 from vector<1xi32>
    %swap3A_266 = arith.constant 12 : i32
    %swap3A_267 = arith.index_cast %swap3A_266 : i32 to index
    %swap3A_268 = memref.load %arg16[%swap3A_267] : memref<32xi32, #tpu.memory_space<smem>>
    memref.store %squeeze3A_265, %arg16[%swap3A_267] : memref<32xi32, #tpu.memory_space<smem>>
    %slice3A_269 = vector.extract_strided_slice %and3A_16 {offsets = [12], sizes = [1], strides = [1]} : vector<16xi32> to vector<1xi32>
    %squeeze3A_270 = vector.extract %slice3A_269[0] : i32 from vector<1xi32>
    %swap3A_271 = arith.constant 12 : i32
    %swap3A_272 = arith.index_cast %swap3A_271 : i32 to index
    %swap3A_273 = memref.load %arg17[%swap3A_272] : memref<32xi32, #tpu.memory_space<smem>>
    memref.store %squeeze3A_270, %arg17[%swap3A_272] : memref<32xi32, #tpu.memory_space<smem>>
    %slice3A_274 = vector.extract_strided_slice %and3A_7 {offsets = [13], sizes = [1], strides = [1]} : vector<16xi32> to vector<1xi32>
    %squeeze3A_275 = vector.extract %slice3A_274[0] : i32 from vector<1xi32>
    %swap3A_276 = arith.constant 13 : i32
    %swap3A_277 = arith.index_cast %swap3A_276 : i32 to index
    %swap3A_278 = memref.load %arg14[%swap3A_277] : memref<32xi32, #tpu.memory_space<smem>>
    memref.store %squeeze3A_275, %arg14[%swap3A_277] : memref<32xi32, #tpu.memory_space<smem>>
    %slice3A_279 = vector.extract_strided_slice %and3A_10 {offsets = [13], sizes = [1], strides = [1]} : vector<16xi32> to vector<1xi32>
    %squeeze3A_280 = vector.extract %slice3A_279[0] : i32 from vector<1xi32>
    %swap3A_281 = arith.constant 13 : i32
    %swap3A_282 = arith.index_cast %swap3A_281 : i32 to index
    %swap3A_283 = memref.load %arg15[%swap3A_282] : memref<32xi32, #tpu.memory_space<smem>>
    memref.store %squeeze3A_280, %arg15[%swap3A_282] : memref<32xi32, #tpu.memory_space<smem>>
    %slice3A_284 = vector.extract_strided_slice %and3A_13 {offsets = [13], sizes = [1], strides = [1]} : vector<16xi32> to vector<1xi32>
    %squeeze3A_285 = vector.extract %slice3A_284[0] : i32 from vector<1xi32>
    %swap3A_286 = arith.constant 13 : i32
    %swap3A_287 = arith.index_cast %swap3A_286 : i32 to index
    %swap3A_288 = memref.load %arg16[%swap3A_287] : memref<32xi32, #tpu.memory_space<smem>>
    memref.store %squeeze3A_285, %arg16[%swap3A_287] : memref<32xi32, #tpu.memory_space<smem>>
    %slice3A_289 = vector.extract_strided_slice %and3A_16 {offsets = [13], sizes = [1], strides = [1]} : vector<16xi32> to vector<1xi32>
    %squeeze3A_290 = vector.extract %slice3A_289[0] : i32 from vector<1xi32>
    %swap3A_291 = arith.constant 13 : i32
    %swap3A_292 = arith.index_cast %swap3A_291 : i32 to index
    %swap3A_293 = memref.load %arg17[%swap3A_292] : memref<32xi32, #tpu.memory_space<smem>>
    memref.store %squeeze3A_290, %arg17[%swap3A_292] : memref<32xi32, #tpu.memory_space<smem>>
    %slice3A_294 = vector.extract_strided_slice %and3A_7 {offsets = [14], sizes = [1], strides = [1]} : vector<16xi32> to vector<1xi32>
    %squeeze3A_295 = vector.extract %slice3A_294[0] : i32 from vector<1xi32>
    %swap3A_296 = arith.constant 14 : i32
    %swap3A_297 = arith.index_cast %swap3A_296 : i32 to index
    %swap3A_298 = memref.load %arg14[%swap3A_297] : memref<32xi32, #tpu.memory_space<smem>>
    memref.store %squeeze3A_295, %arg14[%swap3A_297] : memref<32xi32, #tpu.memory_space<smem>>
    %slice3A_299 = vector.extract_strided_slice %and3A_10 {offsets = [14], sizes = [1], strides = [1]} : vector<16xi32> to vector<1xi32>
    %squeeze3A_300 = vector.extract %slice3A_299[0] : i32 from vector<1xi32>
    %swap3A_301 = arith.constant 14 : i32
    %swap3A_302 = arith.index_cast %swap3A_301 : i32 to index
    %swap3A_303 = memref.load %arg15[%swap3A_302] : memref<32xi32, #tpu.memory_space<smem>>
    memref.store %squeeze3A_300, %arg15[%swap3A_302] : memref<32xi32, #tpu.memory_space<smem>>
    %slice3A_304 = vector.extract_strided_slice %and3A_13 {offsets = [14], sizes = [1], strides = [1]} : vector<16xi32> to vector<1xi32>
    %squeeze3A_305 = vector.extract %slice3A_304[0] : i32 from vector<1xi32>
    %swap3A_306 = arith.constant 14 : i32
    %swap3A_307 = arith.index_cast %swap3A_306 : i32 to index
    %swap3A_308 = memref.load %arg16[%swap3A_307] : memref<32xi32, #tpu.memory_space<smem>>
    memref.store %squeeze3A_305, %arg16[%swap3A_307] : memref<32xi32, #tpu.memory_space<smem>>
    %slice3A_309 = vector.extract_strided_slice %and3A_16 {offsets = [14], sizes = [1], strides = [1]} : vector<16xi32> to vector<1xi32>
    %squeeze3A_310 = vector.extract %slice3A_309[0] : i32 from vector<1xi32>
    %swap3A_311 = arith.constant 14 : i32
    %swap3A_312 = arith.index_cast %swap3A_311 : i32 to index
    %swap3A_313 = memref.load %arg17[%swap3A_312] : memref<32xi32, #tpu.memory_space<smem>>
    memref.store %squeeze3A_310, %arg17[%swap3A_312] : memref<32xi32, #tpu.memory_space<smem>>
    %slice3A_314 = vector.extract_strided_slice %and3A_7 {offsets = [15], sizes = [1], strides = [1]} : vector<16xi32> to vector<1xi32>
    %squeeze3A_315 = vector.extract %slice3A_314[0] : i32 from vector<1xi32>
    %swap3A_316 = arith.constant 15 : i32
    %swap3A_317 = arith.index_cast %swap3A_316 : i32 to index
    %swap3A_318 = memref.load %arg14[%swap3A_317] : memref<32xi32, #tpu.memory_space<smem>>
    memref.store %squeeze3A_315, %arg14[%swap3A_317] : memref<32xi32, #tpu.memory_space<smem>>
    %slice3A_319 = vector.extract_strided_slice %and3A_10 {offsets = [15], sizes = [1], strides = [1]} : vector<16xi32> to vector<1xi32>
    %squeeze3A_320 = vector.extract %slice3A_319[0] : i32 from vector<1xi32>
    %swap3A_321 = arith.constant 15 : i32
    %swap3A_322 = arith.index_cast %swap3A_321 : i32 to index
    %swap3A_323 = memref.load %arg15[%swap3A_322] : memref<32xi32, #tpu.memory_space<smem>>
    memref.store %squeeze3A_320, %arg15[%swap3A_322] : memref<32xi32, #tpu.memory_space<smem>>
    %slice3A_324 = vector.extract_strided_slice %and3A_13 {offsets = [15], sizes = [1], strides = [1]} : vector<16xi32> to vector<1xi32>
    %squeeze3A_325 = vector.extract %slice3A_324[0] : i32 from vector<1xi32>
    %swap3A_326 = arith.constant 15 : i32
    %swap3A_327 = arith.index_cast %swap3A_326 : i32 to index
    %swap3A_328 = memref.load %arg16[%swap3A_327] : memref<32xi32, #tpu.memory_space<smem>>
    memref.store %squeeze3A_325, %arg16[%swap3A_327] : memref<32xi32, #tpu.memory_space<smem>>
    %slice3A_329 = vector.extract_strided_slice %and3A_16 {offsets = [15], sizes = [1], strides = [1]} : vector<16xi32> to vector<1xi32>
    %squeeze3A_330 = vector.extract %slice3A_329[0] : i32 from vector<1xi32>
    %swap3A_331 = arith.constant 15 : i32
    %swap3A_332 = arith.index_cast %swap3A_331 : i32 to index
    %swap3A_333 = memref.load %arg17[%swap3A_332] : memref<32xi32, #tpu.memory_space<smem>>
    memref.store %squeeze3A_330, %arg17[%swap3A_332] : memref<32xi32, #tpu.memory_space<smem>>
    %get3A_334 = arith.constant 16 : index
    %get3A_335 = tpu.vector_load %arg8[%get3A_334] {strides = array<i32>} : memref<32xi32, #tpu.memory_space<vmem>>, vector<16xi32>,
    %get3A_336 = arith.constant 16 : index
    %get3A_337 = tpu.vector_load %arg9[%get3A_336] {strides = array<i32>} : memref<32xi32, #tpu.memory_space<vmem>>, vector<16xi32>,
    %and3A_338 = arith.constant -128 : i32
    %and3A_339 = vector.broadcast %and3A_338 : i32 to vector<16xi32>
    %and3A_340 = arith.andi %get3A_335, %and3A_339 : vector<16xi32>
    %and3A_341 = arith.constant 127 : i32
    %and3A_342 = vector.broadcast %and3A_341 : i32 to vector<16xi32>
    %and3A_343 = arith.andi %get3A_335, %and3A_342 : vector<16xi32>
    %and3A_344 = arith.constant -128 : i32
    %and3A_345 = vector.broadcast %and3A_344 : i32 to vector<16xi32>
    %and3A_346 = arith.andi %get3A_337, %and3A_345 : vector<16xi32>
    %and3A_347 = arith.constant 127 : i32
    %and3A_348 = vector.broadcast %and3A_347 : i32 to vector<16xi32>
    %and3A_349 = arith.andi %get3A_337, %and3A_348 : vector<16xi32>
    %slice3A_350 = vector.extract_strided_slice %and3A_340 {offsets = [0], sizes = [1], strides = [1]} : vector<16xi32> to vector<1xi32>
    %squeeze3A_351 = vector.extract %slice3A_350[0] : i32 from vector<1xi32>
    %swap3A_352 = arith.constant 16 : i32
    %swap3A_353 = arith.index_cast %swap3A_352 : i32 to index
    %swap3A_354 = memref.load %arg14[%swap3A_353] : memref<32xi32, #tpu.memory_space<smem>>
    memref.store %squeeze3A_351, %arg14[%swap3A_353] : memref<32xi32, #tpu.memory_space<smem>>
    %slice3A_355 = vector.extract_strided_slice %and3A_343 {offsets = [0], sizes = [1], strides = [1]} : vector<16xi32> to vector<1xi32>
    %squeeze3A_356 = vector.extract %slice3A_355[0] : i32 from vector<1xi32>
    %swap3A_357 = arith.constant 16 : i32
    %swap3A_358 = arith.index_cast %swap3A_357 : i32 to index
    %swap3A_359 = memref.load %arg15[%swap3A_358] : memref<32xi32, #tpu.memory_space<smem>>
    memref.store %squeeze3A_356, %arg15[%swap3A_358] : memref<32xi32, #tpu.memory_space<smem>>
    %slice3A_360 = vector.extract_strided_slice %and3A_346 {offsets = [0], sizes = [1], strides = [1]} : vector<16xi32> to vector<1xi32>
    %squeeze3A_361 = vector.extract %slice3A_360[0] : i32 from vector<1xi32>
    %swap3A_362 = arith.constant 16 : i32
    %swap3A_363 = arith.index_cast %swap3A_362 : i32 to index
    %swap3A_364 = memref.load %arg16[%swap3A_363] : memref<32xi32, #tpu.memory_space<smem>>
    memref.store %squeeze3A_361, %arg16[%swap3A_363] : memref<32xi32, #tpu.memory_space<smem>>
    %slice3A_365 = vector.extract_strided_slice %and3A_349 {offsets = [0], sizes = [1], strides = [1]} : vector<16xi32> to vector<1xi32>
    %squeeze3A_366 = vector.extract %slice3A_365[0] : i32 from vector<1xi32>
    %swap3A_367 = arith.constant 16 : i32
    %swap3A_368 = arith.index_cast %swap3A_367 : i32 to index
    %swap3A_369 = memref.load %arg17[%swap3A_368] : memref<32xi32, #tpu.memory_space<smem>>
    memref.store %squeeze3A_366, %arg17[%swap3A_368] : memref<32xi32, #tpu.memory_space<smem>>
    %slice3A_370 = vector.extract_strided_slice %and3A_340 {offsets = [1], sizes = [1], strides = [1]} : vector<16xi32> to vector<1xi32>
    %squeeze3A_371 = vector.extract %slice3A_370[0] : i32 from vector<1xi32>
    %swap3A_372 = arith.constant 17 : i32
    %swap3A_373 = arith.index_cast %swap3A_372 : i32 to index
    %swap3A_374 = memref.load %arg14[%swap3A_373] : memref<32xi32, #tpu.memory_space<smem>>
    memref.store %squeeze3A_371, %arg14[%swap3A_373] : memref<32xi32, #tpu.memory_space<smem>>
    %slice3A_375 = vector.extract_strided_slice %and3A_343 {offsets = [1], sizes = [1], strides = [1]} : vector<16xi32> to vector<1xi32>
    %squeeze3A_376 = vector.extract %slice3A_375[0] : i32 from vector<1xi32>
    %swap3A_377 = arith.constant 17 : i32
    %swap3A_378 = arith.index_cast %swap3A_377 : i32 to index
    %swap3A_379 = memref.load %arg15[%swap3A_378] : memref<32xi32, #tpu.memory_space<smem>>
    memref.store %squeeze3A_376, %arg15[%swap3A_378] : memref<32xi32, #tpu.memory_space<smem>>
    %slice3A_380 = vector.extract_strided_slice %and3A_346 {offsets = [1], sizes = [1], strides = [1]} : vector<16xi32> to vector<1xi32>
    %squeeze3A_381 = vector.extract %slice3A_380[0] : i32 from vector<1xi32>
    %swap3A_382 = arith.constant 17 : i32
    %swap3A_383 = arith.index_cast %swap3A_382 : i32 to index
    %swap3A_384 = memref.load %arg16[%swap3A_383] : memref<32xi32, #tpu.memory_space<smem>>
    memref.store %squeeze3A_381, %arg16[%swap3A_383] : memref<32xi32, #tpu.memory_space<smem>>
    %slice3A_385 = vector.extract_strided_slice %and3A_349 {offsets = [1], sizes = [1], strides = [1]} : vector<16xi32> to vector<1xi32>
    %squeeze3A_386 = vector.extract %slice3A_385[0] : i32 from vector<1xi32>
    %swap3A_387 = arith.constant 17 : i32
    %swap3A_388 = arith.index_cast %swap3A_387 : i32 to index
    %swap3A_389 = memref.load %arg17[%swap3A_388] : memref<32xi32, #tpu.memory_space<smem>>
    memref.store %squeeze3A_386, %arg17[%swap3A_388] : memref<32xi32, #tpu.memory_space<smem>>
    %slice3A_390 = vector.extract_strided_slice %and3A_340 {offsets = [2], sizes = [1], strides = [1]} : vector<16xi32> to vector<1xi32>
    %squeeze3A_391 = vector.extract %slice3A_390[0] : i32 from vector<1xi32>
    %swap3A_392 = arith.constant 18 : i32
    %swap3A_393 = arith.index_cast %swap3A_392 : i32 to index
    %swap3A_394 = memref.load %arg14[%swap3A_393] : memref<32xi32, #tpu.memory_space<smem>>
    memref.store %squeeze3A_391, %arg14[%swap3A_393] : memref<32xi32, #tpu.memory_space<smem>>
    %slice3A_395 = vector.extract_strided_slice %and3A_343 {offsets = [2], sizes = [1], strides = [1]} : vector<16xi32> to vector<1xi32>
    %squeeze3A_396 = vector.extract %slice3A_395[0] : i32 from vector<1xi32>
    %swap3A_397 = arith.constant 18 : i32
    %swap3A_398 = arith.index_cast %swap3A_397 : i32 to index
    %swap3A_399 = memref.load %arg15[%swap3A_398] : memref<32xi32, #tpu.memory_space<smem>>
    memref.store %squeeze3A_396, %arg15[%swap3A_398] : memref<32xi32, #tpu.memory_space<smem>>
    %slice3A_400 = vector.extract_strided_slice %and3A_346 {offsets = [2], sizes = [1], strides = [1]} : vector<16xi32> to vector<1xi32>
    %squeeze3A_401 = vector.extract %slice3A_400[0] : i32 from vector<1xi32>
    %swap3A_402 = arith.constant 18 : i32
    %swap3A_403 = arith.index_cast %swap3A_402 : i32 to index
    %swap3A_404 = memref.load %arg16[%swap3A_403] : memref<32xi32, #tpu.memory_space<smem>>
    memref.store %squeeze3A_401, %arg16[%swap3A_403] : memref<32xi32, #tpu.memory_space<smem>>
    %slice3A_405 = vector.extract_strided_slice %and3A_349 {offsets = [2], sizes = [1], strides = [1]} : vector<16xi32> to vector<1xi32>
    %squeeze3A_406 = vector.extract %slice3A_405[0] : i32 from vector<1xi32>
    %swap3A_407 = arith.constant 18 : i32
    %swap3A_408 = arith.index_cast %swap3A_407 : i32 to index
    %swap3A_409 = memref.load %arg17[%swap3A_408] : memref<32xi32, #tpu.memory_space<smem>>
    memref.store %squeeze3A_406, %arg17[%swap3A_408] : memref<32xi32, #tpu.memory_space<smem>>
    %slice3A_410 = vector.extract_strided_slice %and3A_340 {offsets = [3], sizes = [1], strides = [1]} : vector<16xi32> to vector<1xi32>
    %squeeze3A_411 = vector.extract %slice3A_410[0] : i32 from vector<1xi32>
    %swap3A_412 = arith.constant 19 : i32
    %swap3A_413 = arith.index_cast %swap3A_412 : i32 to index
    %swap3A_414 = memref.load %arg14[%swap3A_413] : memref<32xi32, #tpu.memory_space<smem>>
    memref.store %squeeze3A_411, %arg14[%swap3A_413] : memref<32xi32, #tpu.memory_space<smem>>
    %slice3A_415 = vector.extract_strided_slice %and3A_343 {offsets = [3], sizes = [1], strides = [1]} : vector<16xi32> to vector<1xi32>
    %squeeze3A_416 = vector.extract %slice3A_415[0] : i32 from vector<1xi32>
    %swap3A_417 = arith.constant 19 : i32
    %swap3A_418 = arith.index_cast %swap3A_417 : i32 to index
    %swap3A_419 = memref.load %arg15[%swap3A_418] : memref<32xi32, #tpu.memory_space<smem>>
    memref.store %squeeze3A_416, %arg15[%swap3A_418] : memref<32xi32, #tpu.memory_space<smem>>
    %slice3A_420 = vector.extract_strided_slice %and3A_346 {offsets = [3], sizes = [1], strides = [1]} : vector<16xi32> to vector<1xi32>
    %squeeze3A_421 = vector.extract %slice3A_420[0] : i32 from vector<1xi32>
    %swap3A_422 = arith.constant 19 : i32
    %swap3A_423 = arith.index_cast %swap3A_422 : i32 to index
    %swap3A_424 = memref.load %arg16[%swap3A_423] : memref<32xi32, #tpu.memory_space<smem>>
    memref.store %squeeze3A_421, %arg16[%swap3A_423] : memref<32xi32, #tpu.memory_space<smem>>
    %slice3A_425 = vector.extract_strided_slice %and3A_349 {offsets = [3], sizes = [1], strides = [1]} : vector<16xi32> to vector<1xi32>
    %squeeze3A_426 = vector.extract %slice3A_425[0] : i32 from vector<1xi32>
    %swap3A_427 = arith.constant 19 : i32
    %swap3A_428 = arith.index_cast %swap3A_427 : i32 to index
    %swap3A_429 = memref.load %arg17[%swap3A_428] : memref<32xi32, #tpu.memory_space<smem>>
    memref.store %squeeze3A_426, %arg17[%swap3A_428] : memref<32xi32, #tpu.memory_space<smem>>
    %slice3A_430 = vector.extract_strided_slice %and3A_340 {offsets = [4], sizes = [1], strides = [1]} : vector<16xi32> to vector<1xi32>
    %squeeze3A_431 = vector.extract %slice3A_430[0] : i32 from vector<1xi32>
    %swap3A_432 = arith.constant 20 : i32
    %swap3A_433 = arith.index_cast %swap3A_432 : i32 to index
    %swap3A_434 = memref.load %arg14[%swap3A_433] : memref<32xi32, #tpu.memory_space<smem>>
    memref.store %squeeze3A_431, %arg14[%swap3A_433] : memref<32xi32, #tpu.memory_space<smem>>
    %slice3A_435 = vector.extract_strided_slice %and3A_343 {offsets = [4], sizes = [1], strides = [1]} : vector<16xi32> to vector<1xi32>
    %squeeze3A_436 = vector.extract %slice3A_435[0] : i32 from vector<1xi32>
    %swap3A_437 = arith.constant 20 : i32
    %swap3A_438 = arith.index_cast %swap3A_437 : i32 to index
    %swap3A_439 = memref.load %arg15[%swap3A_438] : memref<32xi32, #tpu.memory_space<smem>>
    memref.store %squeeze3A_436, %arg15[%swap3A_438] : memref<32xi32, #tpu.memory_space<smem>>
    %slice3A_440 = vector.extract_strided_slice %and3A_346 {offsets = [4], sizes = [1], strides = [1]} : vector<16xi32> to vector<1xi32>
    %squeeze3A_441 = vector.extract %slice3A_440[0] : i32 from vector<1xi32>
    %swap3A_442 = arith.constant 20 : i32
    %swap3A_443 = arith.index_cast %swap3A_442 : i32 to index
    %swap3A_444 = memref.load %arg16[%swap3A_443] : memref<32xi32, #tpu.memory_space<smem>>
    memref.store %squeeze3A_441, %arg16[%swap3A_443] : memref<32xi32, #tpu.memory_space<smem>>
    %slice3A_445 = vector.extract_strided_slice %and3A_349 {offsets = [4], sizes = [1], strides = [1]} : vector<16xi32> to vector<1xi32>
    %squeeze3A_446 = vector.extract %slice3A_445[0] : i32 from vector<1xi32>
    %swap3A_447 = arith.constant 20 : i32
    %swap3A_448 = arith.index_cast %swap3A_447 : i32 to index
    %swap3A_449 = memref.load %arg17[%swap3A_448] : memref<32xi32, #tpu.memory_space<smem>>
    memref.store %squeeze3A_446, %arg17[%swap3A_448] : memref<32xi32, #tpu.memory_space<smem>>
    %slice3A_450 = vector.extract_strided_slice %and3A_340 {offsets = [5], sizes = [1], strides = [1]} : vector<16xi32> to vector<1xi32>
    %squeeze3A_451 = vector.extract %slice3A_450[0] : i32 from vector<1xi32>
    %swap3A_452 = arith.constant 21 : i32
    %swap3A_453 = arith.index_cast %swap3A_452 : i32 to index
    %swap3A_454 = memref.load %arg14[%swap3A_453] : memref<32xi32, #tpu.memory_space<smem>>
    memref.store %squeeze3A_451, %arg14[%swap3A_453] : memref<32xi32, #tpu.memory_space<smem>>
    %slice3A_455 = vector.extract_strided_slice %and3A_343 {offsets = [5], sizes = [1], strides = [1]} : vector<16xi32> to vector<1xi32>
    %squeeze3A_456 = vector.extract %slice3A_455[0] : i32 from vector<1xi32>
    %swap3A_457 = arith.constant 21 : i32
    %swap3A_458 = arith.index_cast %swap3A_457 : i32 to index
    %swap3A_459 = memref.load %arg15[%swap3A_458] : memref<32xi32, #tpu.memory_space<smem>>
    memref.store %squeeze3A_456, %arg15[%swap3A_458] : memref<32xi32, #tpu.memory_space<smem>>
    %slice3A_460 = vector.extract_strided_slice %and3A_346 {offsets = [5], sizes = [1], strides = [1]} : vector<16xi32> to vector<1xi32>
    %squeeze3A_461 = vector.extract %slice3A_460[0] : i32 from vector<1xi32>
    %swap3A_462 = arith.constant 21 : i32
    %swap3A_463 = arith.index_cast %swap3A_462 : i32 to index
    %swap3A_464 = memref.load %arg16[%swap3A_463] : memref<32xi32, #tpu.memory_space<smem>>
    memref.store %squeeze3A_461, %arg16[%swap3A_463] : memref<32xi32, #tpu.memory_space<smem>>
    %slice3A_465 = vector.extract_strided_slice %and3A_349 {offsets = [5], sizes = [1], strides = [1]} : vector<16xi32> to vector<1xi32>
    %squeeze3A_466 = vector.extract %slice3A_465[0] : i32 from vector<1xi32>
    %swap3A_467 = arith.constant 21 : i32
    %swap3A_468 = arith.index_cast %swap3A_467 : i32 to index
    %swap3A_469 = memref.load %arg17[%swap3A_468] : memref<32xi32, #tpu.memory_space<smem>>
    memref.store %squeeze3A_466, %arg17[%swap3A_468] : memref<32xi32, #tpu.memory_space<smem>>
    %slice3A_470 = vector.extract_strided_slice %and3A_340 {offsets = [6], sizes = [1], strides = [1]} : vector<16xi32> to vector<1xi32>
    %squeeze3A_471 = vector.extract %slice3A_470[0] : i32 from vector<1xi32>
    %swap3A_472 = arith.constant 22 : i32
    %swap3A_473 = arith.index_cast %swap3A_472 : i32 to index
    %swap3A_474 = memref.load %arg14[%swap3A_473] : memref<32xi32, #tpu.memory_space<smem>>
    memref.store %squeeze3A_471, %arg14[%swap3A_473] : memref<32xi32, #tpu.memory_space<smem>>
    %slice3A_475 = vector.extract_strided_slice %and3A_343 {offsets = [6], sizes = [1], strides = [1]} : vector<16xi32> to vector<1xi32>
    %squeeze3A_476 = vector.extract %slice3A_475[0] : i32 from vector<1xi32>
    %swap3A_477 = arith.constant 22 : i32
    %swap3A_478 = arith.index_cast %swap3A_477 : i32 to index
    %swap3A_479 = memref.load %arg15[%swap3A_478] : memref<32xi32, #tpu.memory_space<smem>>
    memref.store %squeeze3A_476, %arg15[%swap3A_478] : memref<32xi32, #tpu.memory_space<smem>>
    %slice3A_480 = vector.extract_strided_slice %and3A_346 {offsets = [6], sizes = [1], strides = [1]} : vector<16xi32> to vector<1xi32>
    %squeeze3A_481 = vector.extract %slice3A_480[0] : i32 from vector<1xi32>
    %swap3A_482 = arith.constant 22 : i32
    %swap3A_483 = arith.index_cast %swap3A_482 : i32 to index
    %swap3A_484 = memref.load %arg16[%swap3A_483] : memref<32xi32, #tpu.memory_space<smem>>
    memref.store %squeeze3A_481, %arg16[%swap3A_483] : memref<32xi32, #tpu.memory_space<smem>>
    %slice3A_485 = vector.extract_strided_slice %and3A_349 {offsets = [6], sizes = [1], strides = [1]} : vector<16xi32> to vector<1xi32>
    %squeeze3A_486 = vector.extract %slice3A_485[0] : i32 from vector<1xi32>
    %swap3A_487 = arith.constant 22 : i32
    %swap3A_488 = arith.index_cast %swap3A_487 : i32 to index
    %swap3A_489 = memref.load %arg17[%swap3A_488] : memref<32xi32, #tpu.memory_space<smem>>
    memref.store %squeeze3A_486, %arg17[%swap3A_488] : memref<32xi32, #tpu.memory_space<smem>>
    %slice3A_490 = vector.extract_strided_slice %and3A_340 {offsets = [7], sizes = [1], strides = [1]} : vector<16xi32> to vector<1xi32>
    %squeeze3A_491 = vector.extract %slice3A_490[0] : i32 from vector<1xi32>
    %swap3A_492 = arith.constant 23 : i32
    %swap3A_493 = arith.index_cast %swap3A_492 : i32 to index
    %swap3A_494 = memref.load %arg14[%swap3A_493] : memref<32xi32, #tpu.memory_space<smem>>
    memref.store %squeeze3A_491, %arg14[%swap3A_493] : memref<32xi32, #tpu.memory_space<smem>>
    %slice3A_495 = vector.extract_strided_slice %and3A_343 {offsets = [7], sizes = [1], strides = [1]} : vector<16xi32> to vector<1xi32>
    %squeeze3A_496 = vector.extract %slice3A_495[0] : i32 from vector<1xi32>
    %swap3A_497 = arith.constant 23 : i32
    %swap3A_498 = arith.index_cast %swap3A_497 : i32 to index
    %swap3A_499 = memref.load %arg15[%swap3A_498] : memref<32xi32, #tpu.memory_space<smem>>
    memref.store %squeeze3A_496, %arg15[%swap3A_498] : memref<32xi32, #tpu.memory_space<smem>>
    %slice3A_500 = vector.extract_strided_slice %and3A_346 {offsets = [7], sizes = [1], strides = [1]} : vector<16xi32> to vector<1xi32>
    %squeeze3A_501 = vector.extract %slice3A_500[0] : i32 from vector<1xi32>
    %swap3A_502 = arith.constant 23 : i32
    %swap3A_503 = arith.index_cast %swap3A_502 : i32 to index
    %swap3A_504 = memref.load %arg16[%swap3A_503] : memref<32xi32, #tpu.memory_space<smem>>
    memref.store %squeeze3A_501, %arg16[%swap3A_503] : memref<32xi32, #tpu.memory_space<smem>>
    %slice3A_505 = vector.extract_strided_slice %and3A_349 {offsets = [7], sizes = [1], strides = [1]} : vector<16xi32> to vector<1xi32>
    %squeeze3A_506 = vector.extract %slice3A_505[0] : i32 from vector<1xi32>
    %swap3A_507 = arith.constant 23 : i32
    %swap3A_508 = arith.index_cast %swap3A_507 : i32 to index
    %swap3A_509 = memref.load %arg17[%swap3A_508] : memref<32xi32, #tpu.memory_space<smem>>
    memref.store %squeeze3A_506, %arg17[%swap3A_508] : memref<32xi32, #tpu.memory_space<smem>>
    %slice3A_510 = vector.extract_strided_slice %and3A_340 {offsets = [8], sizes = [1], strides = [1]} : vector<16xi32> to vector<1xi32>
    %squeeze3A_511 = vector.extract %slice3A_510[0] : i32 from vector<1xi32>
    %swap3A_512 = arith.constant 24 : i32
    %swap3A_513 = arith.index_cast %swap3A_512 : i32 to index
    %swap3A_514 = memref.load %arg14[%swap3A_513] : memref<32xi32, #tpu.memory_space<smem>>
    memref.store %squeeze3A_511, %arg14[%swap3A_513] : memref<32xi32, #tpu.memory_space<smem>>
    %slice3A_515 = vector.extract_strided_slice %and3A_343 {offsets = [8], sizes = [1], strides = [1]} : vector<16xi32> to vector<1xi32>
    %squeeze3A_516 = vector.extract %slice3A_515[0] : i32 from vector<1xi32>
    %swap3A_517 = arith.constant 24 : i32
    %swap3A_518 = arith.index_cast %swap3A_517 : i32 to index
    %swap3A_519 = memref.load %arg15[%swap3A_518] : memref<32xi32, #tpu.memory_space<smem>>
    memref.store %squeeze3A_516, %arg15[%swap3A_518] : memref<32xi32, #tpu.memory_space<smem>>
    %slice3A_520 = vector.extract_strided_slice %and3A_346 {offsets = [8], sizes = [1], strides = [1]} : vector<16xi32> to vector<1xi32>
    %squeeze3A_521 = vector.extract %slice3A_520[0] : i32 from vector<1xi32>
    %swap3A_522 = arith.constant 24 : i32
    %swap3A_523 = arith.index_cast %swap3A_522 : i32 to index
    %swap3A_524 = memref.load %arg16[%swap3A_523] : memref<32xi32, #tpu.memory_space<smem>>
    memref.store %squeeze3A_521, %arg16[%swap3A_523] : memref<32xi32, #tpu.memory_space<smem>>
    %slice3A_525 = vector.extract_strided_slice %and3A_349 {offsets = [8], sizes = [1], strides = [1]} : vector<16xi32> to vector<1xi32>
    %squeeze3A_526 = vector.extract %slice3A_525[0] : i32 from vector<1xi32>
    %swap3A_527 = arith.constant 24 : i32
    %swap3A_528 = arith.index_cast %swap3A_527 : i32 to index
    %swap3A_529 = memref.load %arg17[%swap3A_528] : memref<32xi32, #tpu.memory_space<smem>>
    memref.store %squeeze3A_526, %arg17[%swap3A_528] : memref<32xi32, #tpu.memory_space<smem>>
    %slice3A_530 = vector.extract_strided_slice %and3A_340 {offsets = [9], sizes = [1], strides = [1]} : vector<16xi32> to vector<1xi32>
    %squeeze3A_531 = vector.extract %slice3A_530[0] : i32 from vector<1xi32>
    %swap3A_532 = arith.constant 25 : i32
    %swap3A_533 = arith.index_cast %swap3A_532 : i32 to index
    %swap3A_534 = memref.load %arg14[%swap3A_533] : memref<32xi32, #tpu.memory_space<smem>>
    memref.store %squeeze3A_531, %arg14[%swap3A_533] : memref<32xi32, #tpu.memory_space<smem>>
    %slice3A_535 = vector.extract_strided_slice %and3A_343 {offsets = [9], sizes = [1], strides = [1]} : vector<16xi32> to vector<1xi32>
    %squeeze3A_536 = vector.extract %slice3A_535[0] : i32 from vector<1xi32>
    %swap3A_537 = arith.constant 25 : i32
    %swap3A_538 = arith.index_cast %swap3A_537 : i32 to index
    %swap3A_539 = memref.load %arg15[%swap3A_538] : memref<32xi32, #tpu.memory_space<smem>>
    memref.store %squeeze3A_536, %arg15[%swap3A_538] : memref<32xi32, #tpu.memory_space<smem>>
    %slice3A_540 = vector.extract_strided_slice %and3A_346 {offsets = [9], sizes = [1], strides = [1]} : vector<16xi32> to vector<1xi32>
    %squeeze3A_541 = vector.extract %slice3A_540[0] : i32 from vector<1xi32>
    %swap3A_542 = arith.constant 25 : i32
    %swap3A_543 = arith.index_cast %swap3A_542 : i32 to index
    %swap3A_544 = memref.load %arg16[%swap3A_543] : memref<32xi32, #tpu.memory_space<smem>>
    memref.store %squeeze3A_541, %arg16[%swap3A_543] : memref<32xi32, #tpu.memory_space<smem>>
    %slice3A_545 = vector.extract_strided_slice %and3A_349 {offsets = [9], sizes = [1], strides = [1]} : vector<16xi32> to vector<1xi32>
    %squeeze3A_546 = vector.extract %slice3A_545[0] : i32 from vector<1xi32>
    %swap3A_547 = arith.constant 25 : i32
    %swap3A_548 = arith.index_cast %swap3A_547 : i32 to index
    %swap3A_549 = memref.load %arg17[%swap3A_548] : memref<32xi32, #tpu.memory_space<smem>>
    memref.store %squeeze3A_546, %arg17[%swap3A_548] : memref<32xi32, #tpu.memory_space<smem>>
    %slice3A_550 = vector.extract_strided_slice %and3A_340 {offsets = [10], sizes = [1], strides = [1]} : vector<16xi32> to vector<1xi32>
    %squeeze3A_551 = vector.extract %slice3A_550[0] : i32 from vector<1xi32>
    %swap3A_552 = arith.constant 26 : i32
    %swap3A_553 = arith.index_cast %swap3A_552 : i32 to index
    %swap3A_554 = memref.load %arg14[%swap3A_553] : memref<32xi32, #tpu.memory_space<smem>>
    memref.store %squeeze3A_551, %arg14[%swap3A_553] : memref<32xi32, #tpu.memory_space<smem>>
    %slice3A_555 = vector.extract_strided_slice %and3A_343 {offsets = [10], sizes = [1], strides = [1]} : vector<16xi32> to vector<1xi32>
    %squeeze3A_556 = vector.extract %slice3A_555[0] : i32 from vector<1xi32>
    %swap3A_557 = arith.constant 26 : i32
    %swap3A_558 = arith.index_cast %swap3A_557 : i32 to index
    %swap3A_559 = memref.load %arg15[%swap3A_558] : memref<32xi32, #tpu.memory_space<smem>>
    memref.store %squeeze3A_556, %arg15[%swap3A_558] : memref<32xi32, #tpu.memory_space<smem>>
    %slice3A_560 = vector.extract_strided_slice %and3A_346 {offsets = [10], sizes = [1], strides = [1]} : vector<16xi32> to vector<1xi32>
    %squeeze3A_561 = vector.extract %slice3A_560[0] : i32 from vector<1xi32>
    %swap3A_562 = arith.constant 26 : i32
    %swap3A_563 = arith.index_cast %swap3A_562 : i32 to index
    %swap3A_564 = memref.load %arg16[%swap3A_563] : memref<32xi32, #tpu.memory_space<smem>>
    memref.store %squeeze3A_561, %arg16[%swap3A_563] : memref<32xi32, #tpu.memory_space<smem>>
    %slice3A_565 = vector.extract_strided_slice %and3A_349 {offsets = [10], sizes = [1], strides = [1]} : vector<16xi32> to vector<1xi32>
    %squeeze3A_566 = vector.extract %slice3A_565[0] : i32 from vector<1xi32>
    %swap3A_567 = arith.constant 26 : i32
    %swap3A_568 = arith.index_cast %swap3A_567 : i32 to index
    %swap3A_569 = memref.load %arg17[%swap3A_568] : memref<32xi32, #tpu.memory_space<smem>>
    memref.store %squeeze3A_566, %arg17[%swap3A_568] : memref<32xi32, #tpu.memory_space<smem>>
    %slice3A_570 = vector.extract_strided_slice %and3A_340 {offsets = [11], sizes = [1], strides = [1]} : vector<16xi32> to vector<1xi32>
    %squeeze3A_571 = vector.extract %slice3A_570[0] : i32 from vector<1xi32>
    %swap3A_572 = arith.constant 27 : i32
    %swap3A_573 = arith.index_cast %swap3A_572 : i32 to index
    %swap3A_574 = memref.load %arg14[%swap3A_573] : memref<32xi32, #tpu.memory_space<smem>>
    memref.store %squeeze3A_571, %arg14[%swap3A_573] : memref<32xi32, #tpu.memory_space<smem>>
    %slice3A_575 = vector.extract_strided_slice %and3A_343 {offsets = [11], sizes = [1], strides = [1]} : vector<16xi32> to vector<1xi32>
    %squeeze3A_576 = vector.extract %slice3A_575[0] : i32 from vector<1xi32>
    %swap3A_577 = arith.constant 27 : i32
    %swap3A_578 = arith.index_cast %swap3A_577 : i32 to index
    %swap3A_579 = memref.load %arg15[%swap3A_578] : memref<32xi32, #tpu.memory_space<smem>>
    memref.store %squeeze3A_576, %arg15[%swap3A_578] : memref<32xi32, #tpu.memory_space<smem>>
    %slice3A_580 = vector.extract_strided_slice %and3A_346 {offsets = [11], sizes = [1], strides = [1]} : vector<16xi32> to vector<1xi32>
    %squeeze3A_581 = vector.extract %slice3A_580[0] : i32 from vector<1xi32>
    %swap3A_582 = arith.constant 27 : i32
    %swap3A_583 = arith.index_cast %swap3A_582 : i32 to index
    %swap3A_584 = memref.load %arg16[%swap3A_583] : memref<32xi32, #tpu.memory_space<smem>>
    memref.store %squeeze3A_581, %arg16[%swap3A_583] : memref<32xi32, #tpu.memory_space<smem>>
    %slice3A_585 = vector.extract_strided_slice %and3A_349 {offsets = [11], sizes = [1], strides = [1]} : vector<16xi32> to vector<1xi32>
    %squeeze3A_586 = vector.extract %slice3A_585[0] : i32 from vector<1xi32>
    %swap3A_587 = arith.constant 27 : i32
    %swap3A_588 = arith.index_cast %swap3A_587 : i32 to index
    %swap3A_589 = memref.load %arg17[%swap3A_588] : memref<32xi32, #tpu.memory_space<smem>>
    memref.store %squeeze3A_586, %arg17[%swap3A_588] : memref<32xi32, #tpu.memory_space<smem>>
    %slice3A_590 = vector.extract_strided_slice %and3A_340 {offsets = [12], sizes = [1], strides = [1]} : vector<16xi32> to vector<1xi32>
    %squeeze3A_591 = vector.extract %slice3A_590[0] : i32 from vector<1xi32>
    %swap3A_592 = arith.constant 28 : i32
    %swap3A_593 = arith.index_cast %swap3A_592 : i32 to index
    %swap3A_594 = memref.load %arg14[%swap3A_593] : memref<32xi32, #tpu.memory_space<smem>>
    memref.store %squeeze3A_591, %arg14[%swap3A_593] : memref<32xi32, #tpu.memory_space<smem>>
    %slice3A_595 = vector.extract_strided_slice %and3A_343 {offsets = [12], sizes = [1], strides = [1]} : vector<16xi32> to vector<1xi32>
    %squeeze3A_596 = vector.extract %slice3A_595[0] : i32 from vector<1xi32>
    %swap3A_597 = arith.constant 28 : i32
    %swap3A_598 = arith.index_cast %swap3A_597 : i32 to index
    %swap3A_599 = memref.load %arg15[%swap3A_598] : memref<32xi32, #tpu.memory_space<smem>>
    memref.store %squeeze3A_596, %arg15[%swap3A_598] : memref<32xi32, #tpu.memory_space<smem>>
    %slice3A_600 = vector.extract_strided_slice %and3A_346 {offsets = [12], sizes = [1], strides = [1]} : vector<16xi32> to vector<1xi32>
    %squeeze3A_601 = vector.extract %slice3A_600[0] : i32 from vector<1xi32>
    %swap3A_602 = arith.constant 28 : i32
    %swap3A_603 = arith.index_cast %swap3A_602 : i32 to index
    %swap3A_604 = memref.load %arg16[%swap3A_603] : memref<32xi32, #tpu.memory_space<smem>>
    memref.store %squeeze3A_601, %arg16[%swap3A_603] : memref<32xi32, #tpu.memory_space<smem>>
    %slice3A_605 = vector.extract_strided_slice %and3A_349 {offsets = [12], sizes = [1], strides = [1]} : vector<16xi32> to vector<1xi32>
    %squeeze3A_606 = vector.extract %slice3A_605[0] : i32 from vector<1xi32>
    %swap3A_607 = arith.constant 28 : i32
    %swap3A_608 = arith.index_cast %swap3A_607 : i32 to index
    %swap3A_609 = memref.load %arg17[%swap3A_608] : memref<32xi32, #tpu.memory_space<smem>>
    memref.store %squeeze3A_606, %arg17[%swap3A_608] : memref<32xi32, #tpu.memory_space<smem>>
    %slice3A_610 = vector.extract_strided_slice %and3A_340 {offsets = [13], sizes = [1], strides = [1]} : vector<16xi32> to vector<1xi32>
    %squeeze3A_611 = vector.extract %slice3A_610[0] : i32 from vector<1xi32>
    %swap3A_612 = arith.constant 29 : i32
    %swap3A_613 = arith.index_cast %swap3A_612 : i32 to index
    %swap3A_614 = memref.load %arg14[%swap3A_613] : memref<32xi32, #tpu.memory_space<smem>>
    memref.store %squeeze3A_611, %arg14[%swap3A_613] : memref<32xi32, #tpu.memory_space<smem>>
    %slice3A_615 = vector.extract_strided_slice %and3A_343 {offsets = [13], sizes = [1], strides = [1]} : vector<16xi32> to vector<1xi32>
    %squeeze3A_616 = vector.extract %slice3A_615[0] : i32 from vector<1xi32>
    %swap3A_617 = arith.constant 29 : i32
    %swap3A_618 = arith.index_cast %swap3A_617 : i32 to index
    %swap3A_619 = memref.load %arg15[%swap3A_618] : memref<32xi32, #tpu.memory_space<smem>>
    memref.store %squeeze3A_616, %arg15[%swap3A_618] : memref<32xi32, #tpu.memory_space<smem>>
    %slice3A_620 = vector.extract_strided_slice %and3A_346 {offsets = [13], sizes = [1], strides = [1]} : vector<16xi32> to vector<1xi32>
    %squeeze3A_621 = vector.extract %slice3A_620[0] : i32 from vector<1xi32>
    %swap3A_622 = arith.constant 29 : i32
    %swap3A_623 = arith.index_cast %swap3A_622 : i32 to index
    %swap3A_624 = memref.load %arg16[%swap3A_623] : memref<32xi32, #tpu.memory_space<smem>>
    memref.store %squeeze3A_621, %arg16[%swap3A_623] : memref<32xi32, #tpu.memory_space<smem>>
    %slice3A_625 = vector.extract_strided_slice %and3A_349 {offsets = [13], sizes = [1], strides = [1]} : vector<16xi32> to vector<1xi32>
    %squeeze3A_626 = vector.extract %slice3A_625[0] : i32 from vector<1xi32>
    %swap3A_627 = arith.constant 29 : i32
    %swap3A_628 = arith.index_cast %swap3A_627 : i32 to index
    %swap3A_629 = memref.load %arg17[%swap3A_628] : memref<32xi32, #tpu.memory_space<smem>>
    memref.store %squeeze3A_626, %arg17[%swap3A_628] : memref<32xi32, #tpu.memory_space<smem>>
    %slice3A_630 = vector.extract_strided_slice %and3A_340 {offsets = [14], sizes = [1], strides = [1]} : vector<16xi32> to vector<1xi32>
    %squeeze3A_631 = vector.extract %slice3A_630[0] : i32 from vector<1xi32>
    %swap3A_632 = arith.constant 30 : i32
    %swap3A_633 = arith.index_cast %swap3A_632 : i32 to index
    %swap3A_634 = memref.load %arg14[%swap3A_633] : memref<32xi32, #tpu.memory_space<smem>>
    memref.store %squeeze3A_631, %arg14[%swap3A_633] : memref<32xi32, #tpu.memory_space<smem>>
    %slice3A_635 = vector.extract_strided_slice %and3A_343 {offsets = [14], sizes = [1], strides = [1]} : vector<16xi32> to vector<1xi32>
    %squeeze3A_636 = vector.extract %slice3A_635[0] : i32 from vector<1xi32>
    %swap3A_637 = arith.constant 30 : i32
    %swap3A_638 = arith.index_cast %swap3A_637 : i32 to index
    %swap3A_639 = memref.load %arg15[%swap3A_638] : memref<32xi32, #tpu.memory_space<smem>>
    memref.store %squeeze3A_636, %arg15[%swap3A_638] : memref<32xi32, #tpu.memory_space<smem>>
    %slice3A_640 = vector.extract_strided_slice %and3A_346 {offsets = [14], sizes = [1], strides = [1]} : vector<16xi32> to vector<1xi32>
    %squeeze3A_641 = vector.extract %slice3A_640[0] : i32 from vector<1xi32>
    %swap3A_642 = arith.constant 30 : i32
    %swap3A_643 = arith.index_cast %swap3A_642 : i32 to index
    %swap3A_644 = memref.load %arg16[%swap3A_643] : memref<32xi32, #tpu.memory_space<smem>>
    memref.store %squeeze3A_641, %arg16[%swap3A_643] : memref<32xi32, #tpu.memory_space<smem>>
    %slice3A_645 = vector.extract_strided_slice %and3A_349 {offsets = [14], sizes = [1], strides = [1]} : vector<16xi32> to vector<1xi32>
    %squeeze3A_646 = vector.extract %slice3A_645[0] : i32 from vector<1xi32>
    %swap3A_647 = arith.constant 30 : i32
    %swap3A_648 = arith.index_cast %swap3A_647 : i32 to index
    %swap3A_649 = memref.load %arg17[%swap3A_648] : memref<32xi32, #tpu.memory_space<smem>>
    memref.store %squeeze3A_646, %arg17[%swap3A_648] : memref<32xi32, #tpu.memory_space<smem>>
    %slice3A_650 = vector.extract_strided_slice %and3A_340 {offsets = [15], sizes = [1], strides = [1]} : vector<16xi32> to vector<1xi32>
    %squeeze3A_651 = vector.extract %slice3A_650[0] : i32 from vector<1xi32>
    %swap3A_652 = arith.constant 31 : i32
    %swap3A_653 = arith.index_cast %swap3A_652 : i32 to index
    %swap3A_654 = memref.load %arg14[%swap3A_653] : memref<32xi32, #tpu.memory_space<smem>>
    memref.store %squeeze3A_651, %arg14[%swap3A_653] : memref<32xi32, #tpu.memory_space<smem>>
    %slice3A_655 = vector.extract_strided_slice %and3A_343 {offsets = [15], sizes = [1], strides = [1]} : vector<16xi32> to vector<1xi32>
    %squeeze3A_656 = vector.extract %slice3A_655[0] : i32 from vector<1xi32>
    %swap3A_657 = arith.constant 31 : i32
    %swap3A_658 = arith.index_cast %swap3A_657 : i32 to index
    %swap3A_659 = memref.load %arg15[%swap3A_658] : memref<32xi32, #tpu.memory_space<smem>>
    memref.store %squeeze3A_656, %arg15[%swap3A_658] : memref<32xi32, #tpu.memory_space<smem>>
    %slice3A_660 = vector.extract_strided_slice %and3A_346 {offsets = [15], sizes = [1], strides = [1]} : vector<16xi32> to vector<1xi32>
    %squeeze3A_661 = vector.extract %slice3A_660[0] : i32 from vector<1xi32>
    %swap3A_662 = arith.constant 31 : i32
    %swap3A_663 = arith.index_cast %swap3A_662 : i32 to index
    %swap3A_664 = memref.load %arg16[%swap3A_663] : memref<32xi32, #tpu.memory_space<smem>>
    memref.store %squeeze3A_661, %arg16[%swap3A_663] : memref<32xi32, #tpu.memory_space<smem>>
    %slice3A_665 = vector.extract_strided_slice %and3A_349 {offsets = [15], sizes = [1], strides = [1]} : vector<16xi32> to vector<1xi32>
    %squeeze3A_666 = vector.extract %slice3A_665[0] : i32 from vector<1xi32>
    %swap3A_667 = arith.constant 31 : i32
    %swap3A_668 = arith.index_cast %swap3A_667 : i32 to index
    %swap3A_669 = memref.load %arg17[%swap3A_668] : memref<32xi32, #tpu.memory_space<smem>>
    memref.store %squeeze3A_666, %arg17[%swap3A_668] : memref<32xi32, #tpu.memory_space<smem>>
    %get3A_670 = arith.constant 0 : i32
    %get3A_671 = arith.index_cast %get3A_670 : i32 to index
    %get3A_672 = memref.load %arg14[%get3A_671] : memref<32xi32, #tpu.memory_space<smem>>
    %multiple_of3A = tpu.assume_multiple %get3A_672, 128 : i32
    %dma_start3A = arith.constant 0 : i32
    %dma_start3A_673 = arith.constant 0 : i32
    %dma_start3A_674 = arith.constant 0 : i32
    %dma_start3A_675 = tpu.memref_slice %arg10[%dma_start3A, %dma_start3A_673, %dma_start3A_674] : memref<6x64x128xf32, #tpu.memory_space<vmem>> -> memref<1x64x128xf32, #tpu.memory_space<vmem>>
    %dma_start3A_676 = tpu.memref_squeeze %dma_start3A_675 : memref<1x64x128xf32, #tpu.memory_space<vmem>> -> memref<64x128xf32, #tpu.memory_space<vmem>>
    %dma_start3A_677 = arith.constant 0 : i32
    %dma_start3A_678 = tpu.memref_slice %arg4[%dma_start3A_677, %multiple_of3A] : memref<64x100000xf32, #tpu.memory_space<hbm>> -> memref<64x128xf32, #tpu.memory_space<hbm>>
    %dma_start3A_679 = arith.constant 0 : i32
    %dma_start3A_680 = arith.constant 0 : i32
    %dma_start3A_681 = tpu.memref_slice %arg10[%dma_start3A, %dma_start3A_679, %dma_start3A_680] : memref<6x64x128xf32, #tpu.memory_space<vmem>> -> memref<1x64x128xf32, #tpu.memory_space<vmem>>
    %dma_start3A_682 = tpu.memref_squeeze %dma_start3A_681 : memref<1x64x128xf32, #tpu.memory_space<vmem>> -> memref<64x128xf32, #tpu.memory_space<vmem>>
    %dma_start3A_683 = arith.constant 0 : i32
    %dma_start3A_684 = tpu.memref_slice %arg4[%dma_start3A_683, %multiple_of3A] : memref<64x100000xf32, #tpu.memory_space<hbm>> -> memref<64x128xf32, #tpu.memory_space<hbm>>
    tpu.enqueue_dma source(%dma_start3A_684 : memref<64x128xf32, #tpu.memory_space<hbm>>) target(%dma_start3A_682 : memref<64x128xf32, #tpu.memory_space<vmem>>) target_semaphore(%arg18 : memref<!tpu.dma_semaphore, #tpu.memory_space<semaphore_mem>>)
    %get3A_685 = arith.constant 0 : i32
    %get3A_686 = arith.index_cast %get3A_685 : i32 to index
    %get3A_687 = memref.load %arg16[%get3A_686] : memref<32xi32, #tpu.memory_space<smem>>
    %multiple_of3A_688 = tpu.assume_multiple %get3A_687, 128 : i32
    %dma_start3A_689 = arith.constant 0 : i32
    %dma_start3A_690 = arith.constant 0 : i32
    %dma_start3A_691 = arith.constant 0 : i32
    %dma_start3A_692 = tpu.memref_slice %arg11[%dma_start3A_689, %dma_start3A_690, %dma_start3A_691] : memref<6x64x128xf32, #tpu.memory_space<vmem>> -> memref<1x64x128xf32, #tpu.memory_space<vmem>>
    %dma_start3A_693 = tpu.memref_squeeze %dma_start3A_692 : memref<1x64x128xf32, #tpu.memory_space<vmem>> -> memref<64x128xf32, #tpu.memory_space<vmem>>
    %dma_start3A_694 = arith.constant 0 : i32
    %dma_start3A_695 = tpu.memref_slice %arg5[%dma_start3A_694, %multiple_of3A_688] : memref<64x1000000xf32, #tpu.memory_space<hbm>> -> memref<64x128xf32, #tpu.memory_space<hbm>>
    %dma_start3A_696 = arith.constant 0 : i32
    %dma_start3A_697 = arith.constant 0 : i32
    %dma_start3A_698 = tpu.memref_slice %arg11[%dma_start3A_689, %dma_start3A_696, %dma_start3A_697] : memref<6x64x128xf32, #tpu.memory_space<vmem>> -> memref<1x64x128xf32, #tpu.memory_space<vmem>>
    %dma_start3A_699 = tpu.memref_squeeze %dma_start3A_698 : memref<1x64x128xf32, #tpu.memory_space<vmem>> -> memref<64x128xf32, #tpu.memory_space<vmem>>
    %dma_start3A_700 = arith.constant 0 : i32
    %dma_start3A_701 = tpu.memref_slice %arg5[%dma_start3A_700, %multiple_of3A_688] : memref<64x1000000xf32, #tpu.memory_space<hbm>> -> memref<64x128xf32, #tpu.memory_space<hbm>>
    tpu.enqueue_dma source(%dma_start3A_701 : memref<64x128xf32, #tpu.memory_space<hbm>>) target(%dma_start3A_699 : memref<64x128xf32, #tpu.memory_space<vmem>>) target_semaphore(%arg19 : memref<!tpu.dma_semaphore, #tpu.memory_space<semaphore_mem>>)
    %get3A_702 = arith.constant 1 : i32
    %get3A_703 = arith.index_cast %get3A_702 : i32 to index
    %get3A_704 = memref.load %arg14[%get3A_703] : memref<32xi32, #tpu.memory_space<smem>>
    %multiple_of3A_705 = tpu.assume_multiple %get3A_704, 128 : i32
    %dma_start3A_706 = arith.constant 1 : i32
    %dma_start3A_707 = arith.constant 0 : i32
    %dma_start3A_708 = arith.constant 0 : i32
    %dma_start3A_709 = tpu.memref_slice %arg10[%dma_start3A_706, %dma_start3A_707, %dma_start3A_708] : memref<6x64x128xf32, #tpu.memory_space<vmem>> -> memref<1x64x128xf32, #tpu.memory_space<vmem>>
    %dma_start3A_710 = tpu.memref_squeeze %dma_start3A_709 : memref<1x64x128xf32, #tpu.memory_space<vmem>> -> memref<64x128xf32, #tpu.memory_space<vmem>>
    %dma_start3A_711 = arith.constant 0 : i32
    %dma_start3A_712 = tpu.memref_slice %arg4[%dma_start3A_711, %multiple_of3A_705] : memref<64x100000xf32, #tpu.memory_space<hbm>> -> memref<64x128xf32, #tpu.memory_space<hbm>>
    %dma_start3A_713 = arith.constant 0 : i32
    %dma_start3A_714 = arith.constant 0 : i32
    %dma_start3A_715 = tpu.memref_slice %arg10[%dma_start3A_706, %dma_start3A_713, %dma_start3A_714] : memref<6x64x128xf32, #tpu.memory_space<vmem>> -> memref<1x64x128xf32, #tpu.memory_space<vmem>>
    %dma_start3A_716 = tpu.memref_squeeze %dma_start3A_715 : memref<1x64x128xf32, #tpu.memory_space<vmem>> -> memref<64x128xf32, #tpu.memory_space<vmem>>
    %dma_start3A_717 = arith.constant 0 : i32
    %dma_start3A_718 = tpu.memref_slice %arg4[%dma_start3A_717, %multiple_of3A_705] : memref<64x100000xf32, #tpu.memory_space<hbm>> -> memref<64x128xf32, #tpu.memory_space<hbm>>
    tpu.enqueue_dma source(%dma_start3A_718 : memref<64x128xf32, #tpu.memory_space<hbm>>) target(%dma_start3A_716 : memref<64x128xf32, #tpu.memory_space<vmem>>) target_semaphore(%arg18 : memref<!tpu.dma_semaphore, #tpu.memory_space<semaphore_mem>>)
    %get3A_719 = arith.constant 1 : i32
    %get3A_720 = arith.index_cast %get3A_719 : i32 to index
    %get3A_721 = memref.load %arg16[%get3A_720] : memref<32xi32, #tpu.memory_space<smem>>
    %multiple_of3A_722 = tpu.assume_multiple %get3A_721, 128 : i32
    %dma_start3A_723 = arith.constant 1 : i32
    %dma_start3A_724 = arith.constant 0 : i32
    %dma_start3A_725 = arith.constant 0 : i32
    %dma_start3A_726 = tpu.memref_slice %arg11[%dma_start3A_723, %dma_start3A_724, %dma_start3A_725] : memref<6x64x128xf32, #tpu.memory_space<vmem>> -> memref<1x64x128xf32, #tpu.memory_space<vmem>>
    %dma_start3A_727 = tpu.memref_squeeze %dma_start3A_726 : memref<1x64x128xf32, #tpu.memory_space<vmem>> -> memref<64x128xf32, #tpu.memory_space<vmem>>
    %dma_start3A_728 = arith.constant 0 : i32
    %dma_start3A_729 = tpu.memref_slice %arg5[%dma_start3A_728, %multiple_of3A_722] : memref<64x1000000xf32, #tpu.memory_space<hbm>> -> memref<64x128xf32, #tpu.memory_space<hbm>>
    %dma_start3A_730 = arith.constant 0 : i32
    %dma_start3A_731 = arith.constant 0 : i32
    %dma_start3A_732 = tpu.memref_slice %arg11[%dma_start3A_723, %dma_start3A_730, %dma_start3A_731] : memref<6x64x128xf32, #tpu.memory_space<vmem>> -> memref<1x64x128xf32, #tpu.memory_space<vmem>>
    %dma_start3A_733 = tpu.memref_squeeze %dma_start3A_732 : memref<1x64x128xf32, #tpu.memory_space<vmem>> -> memref<64x128xf32, #tpu.memory_space<vmem>>
    %dma_start3A_734 = arith.constant 0 : i32
    %dma_start3A_735 = tpu.memref_slice %arg5[%dma_start3A_734, %multiple_of3A_722] : memref<64x1000000xf32, #tpu.memory_space<hbm>> -> memref<64x128xf32, #tpu.memory_space<hbm>>
    tpu.enqueue_dma source(%dma_start3A_735 : memref<64x128xf32, #tpu.memory_space<hbm>>) target(%dma_start3A_733 : memref<64x128xf32, #tpu.memory_space<vmem>>) target_semaphore(%arg19 : memref<!tpu.dma_semaphore, #tpu.memory_space<semaphore_mem>>)
    %get3A_736 = arith.constant 2 : i32
    %get3A_737 = arith.index_cast %get3A_736 : i32 to index
    %get3A_738 = memref.load %arg14[%get3A_737] : memref<32xi32, #tpu.memory_space<smem>>
    %multiple_of3A_739 = tpu.assume_multiple %get3A_738, 128 : i32
    %dma_start3A_740 = arith.constant 2 : i32
    %dma_start3A_741 = arith.constant 0 : i32
    %dma_start3A_742 = arith.constant 0 : i32
    %dma_start3A_743 = tpu.memref_slice %arg10[%dma_start3A_740, %dma_start3A_741, %dma_start3A_742] : memref<6x64x128xf32, #tpu.memory_space<vmem>> -> memref<1x64x128xf32, #tpu.memory_space<vmem>>
    %dma_start3A_744 = tpu.memref_squeeze %dma_start3A_743 : memref<1x64x128xf32, #tpu.memory_space<vmem>> -> memref<64x128xf32, #tpu.memory_space<vmem>>
    %dma_start3A_745 = arith.constant 0 : i32
    %dma_start3A_746 = tpu.memref_slice %arg4[%dma_start3A_745, %multiple_of3A_739] : memref<64x100000xf32, #tpu.memory_space<hbm>> -> memref<64x128xf32, #tpu.memory_space<hbm>>
    %dma_start3A_747 = arith.constant 0 : i32
    %dma_start3A_748 = arith.constant 0 : i32
    %dma_start3A_749 = tpu.memref_slice %arg10[%dma_start3A_740, %dma_start3A_747, %dma_start3A_748] : memref<6x64x128xf32, #tpu.memory_space<vmem>> -> memref<1x64x128xf32, #tpu.memory_space<vmem>>
    %dma_start3A_750 = tpu.memref_squeeze %dma_start3A_749 : memref<1x64x128xf32, #tpu.memory_space<vmem>> -> memref<64x128xf32, #tpu.memory_space<vmem>>
    %dma_start3A_751 = arith.constant 0 : i32
    %dma_start3A_752 = tpu.memref_slice %arg4[%dma_start3A_751, %multiple_of3A_739] : memref<64x100000xf32, #tpu.memory_space<hbm>> -> memref<64x128xf32, #tpu.memory_space<hbm>>
    tpu.enqueue_dma source(%dma_start3A_752 : memref<64x128xf32, #tpu.memory_space<hbm>>) target(%dma_start3A_750 : memref<64x128xf32, #tpu.memory_space<vmem>>) target_semaphore(%arg18 : memref<!tpu.dma_semaphore, #tpu.memory_space<semaphore_mem>>)
    %get3A_753 = arith.constant 2 : i32
    %get3A_754 = arith.index_cast %get3A_753 : i32 to index
    %get3A_755 = memref.load %arg16[%get3A_754] : memref<32xi32, #tpu.memory_space<smem>>
    %multiple_of3A_756 = tpu.assume_multiple %get3A_755, 128 : i32
    %dma_start3A_757 = arith.constant 2 : i32
    %dma_start3A_758 = arith.constant 0 : i32
    %dma_start3A_759 = arith.constant 0 : i32
    %dma_start3A_760 = tpu.memref_slice %arg11[%dma_start3A_757, %dma_start3A_758, %dma_start3A_759] : memref<6x64x128xf32, #tpu.memory_space<vmem>> -> memref<1x64x128xf32, #tpu.memory_space<vmem>>
    %dma_start3A_761 = tpu.memref_squeeze %dma_start3A_760 : memref<1x64x128xf32, #tpu.memory_space<vmem>> -> memref<64x128xf32, #tpu.memory_space<vmem>>
    %dma_start3A_762 = arith.constant 0 : i32
    %dma_start3A_763 = tpu.memref_slice %arg5[%dma_start3A_762, %multiple_of3A_756] : memref<64x1000000xf32, #tpu.memory_space<hbm>> -> memref<64x128xf32, #tpu.memory_space<hbm>>
    %dma_start3A_764 = arith.constant 0 : i32
    %dma_start3A_765 = arith.constant 0 : i32
    %dma_start3A_766 = tpu.memref_slice %arg11[%dma_start3A_757, %dma_start3A_764, %dma_start3A_765] : memref<6x64x128xf32, #tpu.memory_space<vmem>> -> memref<1x64x128xf32, #tpu.memory_space<vmem>>
    %dma_start3A_767 = tpu.memref_squeeze %dma_start3A_766 : memref<1x64x128xf32, #tpu.memory_space<vmem>> -> memref<64x128xf32, #tpu.memory_space<vmem>>
    %dma_start3A_768 = arith.constant 0 : i32
    %dma_start3A_769 = tpu.memref_slice %arg5[%dma_start3A_768, %multiple_of3A_756] : memref<64x1000000xf32, #tpu.memory_space<hbm>> -> memref<64x128xf32, #tpu.memory_space<hbm>>
    tpu.enqueue_dma source(%dma_start3A_769 : memref<64x128xf32, #tpu.memory_space<hbm>>) target(%dma_start3A_767 : memref<64x128xf32, #tpu.memory_space<vmem>>) target_semaphore(%arg19 : memref<!tpu.dma_semaphore, #tpu.memory_space<semaphore_mem>>)
    %get3A_770 = arith.constant 3 : i32
    %get3A_771 = arith.index_cast %get3A_770 : i32 to index
    %get3A_772 = memref.load %arg14[%get3A_771] : memref<32xi32, #tpu.memory_space<smem>>
    %multiple_of3A_773 = tpu.assume_multiple %get3A_772, 128 : i32
    %dma_start3A_774 = arith.constant 3 : i32
    %dma_start3A_775 = arith.constant 0 : i32
    %dma_start3A_776 = arith.constant 0 : i32
    %dma_start3A_777 = tpu.memref_slice %arg10[%dma_start3A_774, %dma_start3A_775, %dma_start3A_776] : memref<6x64x128xf32, #tpu.memory_space<vmem>> -> memref<1x64x128xf32, #tpu.memory_space<vmem>>
    %dma_start3A_778 = tpu.memref_squeeze %dma_start3A_777 : memref<1x64x128xf32, #tpu.memory_space<vmem>> -> memref<64x128xf32, #tpu.memory_space<vmem>>
    %dma_start3A_779 = arith.constant 0 : i32
    %dma_start3A_780 = tpu.memref_slice %arg4[%dma_start3A_779, %multiple_of3A_773] : memref<64x100000xf32, #tpu.memory_space<hbm>> -> memref<64x128xf32, #tpu.memory_space<hbm>>
    %dma_start3A_781 = arith.constant 0 : i32
    %dma_start3A_782 = arith.constant 0 : i32
    %dma_start3A_783 = tpu.memref_slice %arg10[%dma_start3A_774, %dma_start3A_781, %dma_start3A_782] : memref<6x64x128xf32, #tpu.memory_space<vmem>> -> memref<1x64x128xf32, #tpu.memory_space<vmem>>
    %dma_start3A_784 = tpu.memref_squeeze %dma_start3A_783 : memref<1x64x128xf32, #tpu.memory_space<vmem>> -> memref<64x128xf32, #tpu.memory_space<vmem>>
    %dma_start3A_785 = arith.constant 0 : i32
    %dma_start3A_786 = tpu.memref_slice %arg4[%dma_start3A_785, %multiple_of3A_773] : memref<64x100000xf32, #tpu.memory_space<hbm>> -> memref<64x128xf32, #tpu.memory_space<hbm>>
    tpu.enqueue_dma source(%dma_start3A_786 : memref<64x128xf32, #tpu.memory_space<hbm>>) target(%dma_start3A_784 : memref<64x128xf32, #tpu.memory_space<vmem>>) target_semaphore(%arg18 : memref<!tpu.dma_semaphore, #tpu.memory_space<semaphore_mem>>)
    %get3A_787 = arith.constant 3 : i32
    %get3A_788 = arith.index_cast %get3A_787 : i32 to index
    %get3A_789 = memref.load %arg16[%get3A_788] : memref<32xi32, #tpu.memory_space<smem>>
    %multiple_of3A_790 = tpu.assume_multiple %get3A_789, 128 : i32
    %dma_start3A_791 = arith.constant 3 : i32
    %dma_start3A_792 = arith.constant 0 : i32
    %dma_start3A_793 = arith.constant 0 : i32
    %dma_start3A_794 = tpu.memref_slice %arg11[%dma_start3A_791, %dma_start3A_792, %dma_start3A_793] : memref<6x64x128xf32, #tpu.memory_space<vmem>> -> memref<1x64x128xf32, #tpu.memory_space<vmem>>
    %dma_start3A_795 = tpu.memref_squeeze %dma_start3A_794 : memref<1x64x128xf32, #tpu.memory_space<vmem>> -> memref<64x128xf32, #tpu.memory_space<vmem>>
    %dma_start3A_796 = arith.constant 0 : i32
    %dma_start3A_797 = tpu.memref_slice %arg5[%dma_start3A_796, %multiple_of3A_790] : memref<64x1000000xf32, #tpu.memory_space<hbm>> -> memref<64x128xf32, #tpu.memory_space<hbm>>
    %dma_start3A_798 = arith.constant 0 : i32
    %dma_start3A_799 = arith.constant 0 : i32
    %dma_start3A_800 = tpu.memref_slice %arg11[%dma_start3A_791, %dma_start3A_798, %dma_start3A_799] : memref<6x64x128xf32, #tpu.memory_space<vmem>> -> memref<1x64x128xf32, #tpu.memory_space<vmem>>
    %dma_start3A_801 = tpu.memref_squeeze %dma_start3A_800 : memref<1x64x128xf32, #tpu.memory_space<vmem>> -> memref<64x128xf32, #tpu.memory_space<vmem>>
    %dma_start3A_802 = arith.constant 0 : i32
    %dma_start3A_803 = tpu.memref_slice %arg5[%dma_start3A_802, %multiple_of3A_790] : memref<64x1000000xf32, #tpu.memory_space<hbm>> -> memref<64x128xf32, #tpu.memory_space<hbm>>
    tpu.enqueue_dma source(%dma_start3A_803 : memref<64x128xf32, #tpu.memory_space<hbm>>) target(%dma_start3A_801 : memref<64x128xf32, #tpu.memory_space<vmem>>) target_semaphore(%arg19 : memref<!tpu.dma_semaphore, #tpu.memory_space<semaphore_mem>>)
    %get3A_804 = arith.constant 4 : i32
    %get3A_805 = arith.index_cast %get3A_804 : i32 to index
    %get3A_806 = memref.load %arg14[%get3A_805] : memref<32xi32, #tpu.memory_space<smem>>
    %multiple_of3A_807 = tpu.assume_multiple %get3A_806, 128 : i32
    %dma_start3A_808 = arith.constant 4 : i32
    %dma_start3A_809 = arith.constant 0 : i32
    %dma_start3A_810 = arith.constant 0 : i32
    %dma_start3A_811 = tpu.memref_slice %arg10[%dma_start3A_808, %dma_start3A_809, %dma_start3A_810] : memref<6x64x128xf32, #tpu.memory_space<vmem>> -> memref<1x64x128xf32, #tpu.memory_space<vmem>>
    %dma_start3A_812 = tpu.memref_squeeze %dma_start3A_811 : memref<1x64x128xf32, #tpu.memory_space<vmem>> -> memref<64x128xf32, #tpu.memory_space<vmem>>
    %dma_start3A_813 = arith.constant 0 : i32
    %dma_start3A_814 = tpu.memref_slice %arg4[%dma_start3A_813, %multiple_of3A_807] : memref<64x100000xf32, #tpu.memory_space<hbm>> -> memref<64x128xf32, #tpu.memory_space<hbm>>
    %dma_start3A_815 = arith.constant 0 : i32
    %dma_start3A_816 = arith.constant 0 : i32
    %dma_start3A_817 = tpu.memref_slice %arg10[%dma_start3A_808, %dma_start3A_815, %dma_start3A_816] : memref<6x64x128xf32, #tpu.memory_space<vmem>> -> memref<1x64x128xf32, #tpu.memory_space<vmem>>
    %dma_start3A_818 = tpu.memref_squeeze %dma_start3A_817 : memref<1x64x128xf32, #tpu.memory_space<vmem>> -> memref<64x128xf32, #tpu.memory_space<vmem>>
    %dma_start3A_819 = arith.constant 0 : i32
    %dma_start3A_820 = tpu.memref_slice %arg4[%dma_start3A_819, %multiple_of3A_807] : memref<64x100000xf32, #tpu.memory_space<hbm>> -> memref<64x128xf32, #tpu.memory_space<hbm>>
    tpu.enqueue_dma source(%dma_start3A_820 : memref<64x128xf32, #tpu.memory_space<hbm>>) target(%dma_start3A_818 : memref<64x128xf32, #tpu.memory_space<vmem>>) target_semaphore(%arg18 : memref<!tpu.dma_semaphore, #tpu.memory_space<semaphore_mem>>)
    %get3A_821 = arith.constant 4 : i32
    %get3A_822 = arith.index_cast %get3A_821 : i32 to index
    %get3A_823 = memref.load %arg16[%get3A_822] : memref<32xi32, #tpu.memory_space<smem>>
    %multiple_of3A_824 = tpu.assume_multiple %get3A_823, 128 : i32
    %dma_start3A_825 = arith.constant 4 : i32
    %dma_start3A_826 = arith.constant 0 : i32
    %dma_start3A_827 = arith.constant 0 : i32
    %dma_start3A_828 = tpu.memref_slice %arg11[%dma_start3A_825, %dma_start3A_826, %dma_start3A_827] : memref<6x64x128xf32, #tpu.memory_space<vmem>> -> memref<1x64x128xf32, #tpu.memory_space<vmem>>
    %dma_start3A_829 = tpu.memref_squeeze %dma_start3A_828 : memref<1x64x128xf32, #tpu.memory_space<vmem>> -> memref<64x128xf32, #tpu.memory_space<vmem>>
    %dma_start3A_830 = arith.constant 0 : i32
    %dma_start3A_831 = tpu.memref_slice %arg5[%dma_start3A_830, %multiple_of3A_824] : memref<64x1000000xf32, #tpu.memory_space<hbm>> -> memref<64x128xf32, #tpu.memory_space<hbm>>
    %dma_start3A_832 = arith.constant 0 : i32
    %dma_start3A_833 = arith.constant 0 : i32
    %dma_start3A_834 = tpu.memref_slice %arg11[%dma_start3A_825, %dma_start3A_832, %dma_start3A_833] : memref<6x64x128xf32, #tpu.memory_space<vmem>> -> memref<1x64x128xf32, #tpu.memory_space<vmem>>
    %dma_start3A_835 = tpu.memref_squeeze %dma_start3A_834 : memref<1x64x128xf32, #tpu.memory_space<vmem>> -> memref<64x128xf32, #tpu.memory_space<vmem>>
    %dma_start3A_836 = arith.constant 0 : i32
    %dma_start3A_837 = tpu.memref_slice %arg5[%dma_start3A_836, %multiple_of3A_824] : memref<64x1000000xf32, #tpu.memory_space<hbm>> -> memref<64x128xf32, #tpu.memory_space<hbm>>
    tpu.enqueue_dma source(%dma_start3A_837 : memref<64x128xf32, #tpu.memory_space<hbm>>) target(%dma_start3A_835 : memref<64x128xf32, #tpu.memory_space<vmem>>) target_semaphore(%arg19 : memref<!tpu.dma_semaphore, #tpu.memory_space<semaphore_mem>>)
    %get3A_838 = arith.constant 5 : i32
    %get3A_839 = arith.index_cast %get3A_838 : i32 to index
    %get3A_840 = memref.load %arg14[%get3A_839] : memref<32xi32, #tpu.memory_space<smem>>
    %multiple_of3A_841 = tpu.assume_multiple %get3A_840, 128 : i32
    %dma_start3A_842 = arith.constant 5 : i32
    %dma_start3A_843 = arith.constant 0 : i32
    %dma_start3A_844 = arith.constant 0 : i32
    %dma_start3A_845 = tpu.memref_slice %arg10[%dma_start3A_842, %dma_start3A_843, %dma_start3A_844] : memref<6x64x128xf32, #tpu.memory_space<vmem>> -> memref<1x64x128xf32, #tpu.memory_space<vmem>>
    %dma_start3A_846 = tpu.memref_squeeze %dma_start3A_845 : memref<1x64x128xf32, #tpu.memory_space<vmem>> -> memref<64x128xf32, #tpu.memory_space<vmem>>
    %dma_start3A_847 = arith.constant 0 : i32
    %dma_start3A_848 = tpu.memref_slice %arg4[%dma_start3A_847, %multiple_of3A_841] : memref<64x100000xf32, #tpu.memory_space<hbm>> -> memref<64x128xf32, #tpu.memory_space<hbm>>
    %dma_start3A_849 = arith.constant 0 : i32
    %dma_start3A_850 = arith.constant 0 : i32
    %dma_start3A_851 = tpu.memref_slice %arg10[%dma_start3A_842, %dma_start3A_849, %dma_start3A_850] : memref<6x64x128xf32, #tpu.memory_space<vmem>> -> memref<1x64x128xf32, #tpu.memory_space<vmem>>
    %dma_start3A_852 = tpu.memref_squeeze %dma_start3A_851 : memref<1x64x128xf32, #tpu.memory_space<vmem>> -> memref<64x128xf32, #tpu.memory_space<vmem>>
    %dma_start3A_853 = arith.constant 0 : i32
    %dma_start3A_854 = tpu.memref_slice %arg4[%dma_start3A_853, %multiple_of3A_841] : memref<64x100000xf32, #tpu.memory_space<hbm>> -> memref<64x128xf32, #tpu.memory_space<hbm>>
    tpu.enqueue_dma source(%dma_start3A_854 : memref<64x128xf32, #tpu.memory_space<hbm>>) target(%dma_start3A_852 : memref<64x128xf32, #tpu.memory_space<vmem>>) target_semaphore(%arg18 : memref<!tpu.dma_semaphore, #tpu.memory_space<semaphore_mem>>)
    %get3A_855 = arith.constant 5 : i32
    %get3A_856 = arith.index_cast %get3A_855 : i32 to index
    %get3A_857 = memref.load %arg16[%get3A_856] : memref<32xi32, #tpu.memory_space<smem>>
    %multiple_of3A_858 = tpu.assume_multiple %get3A_857, 128 : i32
    %dma_start3A_859 = arith.constant 5 : i32
    %dma_start3A_860 = arith.constant 0 : i32
    %dma_start3A_861 = arith.constant 0 : i32
    %dma_start3A_862 = tpu.memref_slice %arg11[%dma_start3A_859, %dma_start3A_860, %dma_start3A_861] : memref<6x64x128xf32, #tpu.memory_space<vmem>> -> memref<1x64x128xf32, #tpu.memory_space<vmem>>
    %dma_start3A_863 = tpu.memref_squeeze %dma_start3A_862 : memref<1x64x128xf32, #tpu.memory_space<vmem>> -> memref<64x128xf32, #tpu.memory_space<vmem>>
    %dma_start3A_864 = arith.constant 0 : i32
    %dma_start3A_865 = tpu.memref_slice %arg5[%dma_start3A_864, %multiple_of3A_858] : memref<64x1000000xf32, #tpu.memory_space<hbm>> -> memref<64x128xf32, #tpu.memory_space<hbm>>
    %dma_start3A_866 = arith.constant 0 : i32
    %dma_start3A_867 = arith.constant 0 : i32
    %dma_start3A_868 = tpu.memref_slice %arg11[%dma_start3A_859, %dma_start3A_866, %dma_start3A_867] : memref<6x64x128xf32, #tpu.memory_space<vmem>> -> memref<1x64x128xf32, #tpu.memory_space<vmem>>
    %dma_start3A_869 = tpu.memref_squeeze %dma_start3A_868 : memref<1x64x128xf32, #tpu.memory_space<vmem>> -> memref<64x128xf32, #tpu.memory_space<vmem>>
    %dma_start3A_870 = arith.constant 0 : i32
    %dma_start3A_871 = tpu.memref_slice %arg5[%dma_start3A_870, %multiple_of3A_858] : memref<64x1000000xf32, #tpu.memory_space<hbm>> -> memref<64x128xf32, #tpu.memory_space<hbm>>
    tpu.enqueue_dma source(%dma_start3A_871 : memref<64x128xf32, #tpu.memory_space<hbm>>) target(%dma_start3A_869 : memref<64x128xf32, #tpu.memory_space<vmem>>) target_semaphore(%arg19 : memref<!tpu.dma_semaphore, #tpu.memory_space<semaphore_mem>>)
    %scan3A = arith.constant 0 : i32
    %scan3A_872 = arith.constant 0 : i32
    %scan3A_873 = arith.constant 32 : i32
    %scan3A_874 = arith.addi %scan3A_872, %scan3A_873 : i32
    %scan3A_875 = arith.constant 1 : i32
    scf.for %scan3A_877 = %scan3A_872 to %scan3A_874 step %scan3A_875  : i32 {
      %rem3A = arith.constant 6 : i32
      %rem3A_878 = arith.remsi %scan3A_877, %rem3A : i32
      %dma_wait3A = arith.constant 0 : i32
      %dma_wait3A_879 = arith.constant 0 : i32
      %dma_wait3A_880 = arith.constant 0 : i32
      %dma_wait3A_881 = tpu.memref_slice %arg10[%dma_wait3A, %dma_wait3A_879, %dma_wait3A_880] : memref<6x64x128xf32, #tpu.memory_space<vmem>> -> memref<1x64x128xf32, #tpu.memory_space<vmem>>
      %dma_wait3A_882 = tpu.memref_squeeze %dma_wait3A_881 : memref<1x64x128xf32, #tpu.memory_space<vmem>> -> memref<64x128xf32, #tpu.memory_space<vmem>>
      %dma_wait3A_883 = arith.constant 0 : i32
      %dma_wait3A_884 = arith.constant 0 : i32
      %dma_wait3A_885 = tpu.memref_slice %arg4[%dma_wait3A_883, %dma_wait3A_884] : memref<64x100000xf32, #tpu.memory_space<hbm>> -> memref<64x128xf32, #tpu.memory_space<hbm>>
      %dma_wait3A_886 = arith.constant 0 : i32
      %dma_wait3A_887 = arith.constant 0 : i32
      %dma_wait3A_888 = tpu.memref_slice %arg10[%dma_wait3A, %dma_wait3A_886, %dma_wait3A_887] : memref<6x64x128xf32, #tpu.memory_space<vmem>> -> memref<1x64x128xf32, #tpu.memory_space<vmem>>
      %dma_wait3A_889 = tpu.memref_squeeze %dma_wait3A_888 : memref<1x64x128xf32, #tpu.memory_space<vmem>> -> memref<64x128xf32, #tpu.memory_space<vmem>>
      %dma_wait3A_890 = arith.constant 0 : i32
      %dma_wait3A_891 = arith.constant 0 : i32
      %dma_wait3A_892 = tpu.memref_slice %arg4[%dma_wait3A_890, %dma_wait3A_891] : memref<64x100000xf32, #tpu.memory_space<hbm>> -> memref<64x128xf32, #tpu.memory_space<hbm>>
      tpu.wait_dma2 semaphore(%arg18 : memref<!tpu.dma_semaphore, #tpu.memory_space<semaphore_mem>>) src(%dma_wait3A_892 : memref<64x128xf32, #tpu.memory_space<hbm>>) dst(%dma_wait3A_889 : memref<64x128xf32, #tpu.memory_space<vmem>>)
      %get3A_893 = arith.index_cast %scan3A_877 : i32 to index
      %get3A_894 = memref.load %arg15[%get3A_893] : memref<32xi32, #tpu.memory_space<smem>>
      %broadcast_in_dim3A = vector.broadcast %get3A_894 : i32 to vector<16xi32>
      %broadcast_in_dim3A_895 = vector.broadcast %scan3A_877 : i32 to vector<16xi32>
      %iota3A = tpu.iota {dimensions = array<i32: 0>} : vector<16xi32>
      %add3A_896 = arith.constant 0 : i32
      %add3A_897 = vector.broadcast %add3A_896 : i32 to vector<16xi32>
      %add3A_898 = arith.addi %iota3A, %add3A_897 : vector<16xi32>
      %gather3A = arith.constant 0 : i32
      %gather3A_899 = arith.constant 0 : i32
      %gather3A_900 = tpu.memref_slice %arg10[%rem3A_878, %gather3A, %gather3A_899] : memref<6x64x128xf32, #tpu.memory_space<vmem>> -> memref<1x64x128xf32, #tpu.memory_space<vmem>>
      %gather3A_901 = tpu.memref_squeeze %gather3A_900 : memref<1x64x128xf32, #tpu.memory_space<vmem>> -> memref<64x128xf32, #tpu.memory_space<vmem>>
      %gather3A_902 = tpu.vector_load_idx %gather3A_901[%add3A_898, %broadcast_in_dim3A] : memref<64x128xf32, #tpu.memory_space<vmem>>[vector<16xi32>, vector<16xi32>], vector<16xf32>,
      tpu.vector_store_idx %arg12[%broadcast_in_dim3A_895, %add3A_898], %gather3A_902 : memref<32x64xf32, #tpu.memory_space<vmem>>[vector<16xi32>, vector<16xi32>], vector<16xf32>,
      %iota3A_903 = tpu.iota {dimensions = array<i32: 0>} : vector<16xi32>
      %add3A_904 = arith.constant 16 : i32
      %add3A_905 = vector.broadcast %add3A_904 : i32 to vector<16xi32>
      %add3A_906 = arith.addi %iota3A_903, %add3A_905 : vector<16xi32>
      %gather3A_907 = arith.constant 0 : i32
      %gather3A_908 = arith.constant 0 : i32
      %gather3A_909 = tpu.memref_slice %arg10[%rem3A_878, %gather3A_907, %gather3A_908] : memref<6x64x128xf32, #tpu.memory_space<vmem>> -> memref<1x64x128xf32, #tpu.memory_space<vmem>>
      %gather3A_910 = tpu.memref_squeeze %gather3A_909 : memref<1x64x128xf32, #tpu.memory_space<vmem>> -> memref<64x128xf32, #tpu.memory_space<vmem>>
      %gather3A_911 = tpu.vector_load_idx %gather3A_910[%add3A_906, %broadcast_in_dim3A] : memref<64x128xf32, #tpu.memory_space<vmem>>[vector<16xi32>, vector<16xi32>], vector<16xf32>,
      tpu.vector_store_idx %arg12[%broadcast_in_dim3A_895, %add3A_906], %gather3A_911 : memref<32x64xf32, #tpu.memory_space<vmem>>[vector<16xi32>, vector<16xi32>], vector<16xf32>,
      %iota3A_912 = tpu.iota {dimensions = array<i32: 0>} : vector<16xi32>
      %add3A_913 = arith.constant 32 : i32
      %add3A_914 = vector.broadcast %add3A_913 : i32 to vector<16xi32>
      %add3A_915 = arith.addi %iota3A_912, %add3A_914 : vector<16xi32>
      %gather3A_916 = arith.constant 0 : i32
      %gather3A_917 = arith.constant 0 : i32
      %gather3A_918 = tpu.memref_slice %arg10[%rem3A_878, %gather3A_916, %gather3A_917] : memref<6x64x128xf32, #tpu.memory_space<vmem>> -> memref<1x64x128xf32, #tpu.memory_space<vmem>>
      %gather3A_919 = tpu.memref_squeeze %gather3A_918 : memref<1x64x128xf32, #tpu.memory_space<vmem>> -> memref<64x128xf32, #tpu.memory_space<vmem>>
      %gather3A_920 = tpu.vector_load_idx %gather3A_919[%add3A_915, %broadcast_in_dim3A] : memref<64x128xf32, #tpu.memory_space<vmem>>[vector<16xi32>, vector<16xi32>], vector<16xf32>,
      tpu.vector_store_idx %arg12[%broadcast_in_dim3A_895, %add3A_915], %gather3A_920 : memref<32x64xf32, #tpu.memory_space<vmem>>[vector<16xi32>, vector<16xi32>], vector<16xf32>,
      %iota3A_921 = tpu.iota {dimensions = array<i32: 0>} : vector<16xi32>
      %add3A_922 = arith.constant 48 : i32
      %add3A_923 = vector.broadcast %add3A_922 : i32 to vector<16xi32>
      %add3A_924 = arith.addi %iota3A_921, %add3A_923 : vector<16xi32>
      %gather3A_925 = arith.constant 0 : i32
      %gather3A_926 = arith.constant 0 : i32
      %gather3A_927 = tpu.memref_slice %arg10[%rem3A_878, %gather3A_925, %gather3A_926] : memref<6x64x128xf32, #tpu.memory_space<vmem>> -> memref<1x64x128xf32, #tpu.memory_space<vmem>>
      %gather3A_928 = tpu.memref_squeeze %gather3A_927 : memref<1x64x128xf32, #tpu.memory_space<vmem>> -> memref<64x128xf32, #tpu.memory_space<vmem>>
      %gather3A_929 = tpu.vector_load_idx %gather3A_928[%add3A_924, %broadcast_in_dim3A] : memref<64x128xf32, #tpu.memory_space<vmem>>[vector<16xi32>, vector<16xi32>], vector<16xf32>,
      tpu.vector_store_idx %arg12[%broadcast_in_dim3A_895, %add3A_924], %gather3A_929 : memref<32x64xf32, #tpu.memory_space<vmem>>[vector<16xi32>, vector<16xi32>], vector<16xf32>,
      %dma_wait3A_930 = arith.constant 0 : i32
      %dma_wait3A_931 = arith.constant 0 : i32
      %dma_wait3A_932 = arith.constant 0 : i32
      %dma_wait3A_933 = tpu.memref_slice %arg11[%dma_wait3A_930, %dma_wait3A_931, %dma_wait3A_932] : memref<6x64x128xf32, #tpu.memory_space<vmem>> -> memref<1x64x128xf32, #tpu.memory_space<vmem>>
      %dma_wait3A_934 = tpu.memref_squeeze %dma_wait3A_933 : memref<1x64x128xf32, #tpu.memory_space<vmem>> -> memref<64x128xf32, #tpu.memory_space<vmem>>
      %dma_wait3A_935 = arith.constant 0 : i32
      %dma_wait3A_936 = arith.constant 0 : i32
      %dma_wait3A_937 = tpu.memref_slice %arg5[%dma_wait3A_935, %dma_wait3A_936] : memref<64x1000000xf32, #tpu.memory_space<hbm>> -> memref<64x128xf32, #tpu.memory_space<hbm>>
      %dma_wait3A_938 = arith.constant 0 : i32
      %dma_wait3A_939 = arith.constant 0 : i32
      %dma_wait3A_940 = tpu.memref_slice %arg11[%dma_wait3A_930, %dma_wait3A_938, %dma_wait3A_939] : memref<6x64x128xf32, #tpu.memory_space<vmem>> -> memref<1x64x128xf32, #tpu.memory_space<vmem>>
      %dma_wait3A_941 = tpu.memref_squeeze %dma_wait3A_940 : memref<1x64x128xf32, #tpu.memory_space<vmem>> -> memref<64x128xf32, #tpu.memory_space<vmem>>
      %dma_wait3A_942 = arith.constant 0 : i32
      %dma_wait3A_943 = arith.constant 0 : i32
      %dma_wait3A_944 = tpu.memref_slice %arg5[%dma_wait3A_942, %dma_wait3A_943] : memref<64x1000000xf32, #tpu.memory_space<hbm>> -> memref<64x128xf32, #tpu.memory_space<hbm>>
      tpu.wait_dma2 semaphore(%arg19 : memref<!tpu.dma_semaphore, #tpu.memory_space<semaphore_mem>>) src(%dma_wait3A_944 : memref<64x128xf32, #tpu.memory_space<hbm>>) dst(%dma_wait3A_941 : memref<64x128xf32, #tpu.memory_space<vmem>>)
      %get3A_945 = arith.index_cast %scan3A_877 : i32 to index
      %get3A_946 = memref.load %arg17[%get3A_945] : memref<32xi32, #tpu.memory_space<smem>>
      %broadcast_in_dim3A_947 = vector.broadcast %get3A_946 : i32 to vector<16xi32>
      %broadcast_in_dim3A_948 = vector.broadcast %scan3A_877 : i32 to vector<16xi32>
      %iota3A_949 = tpu.iota {dimensions = array<i32: 0>} : vector<16xi32>
      %add3A_950 = arith.constant 0 : i32
      %add3A_951 = vector.broadcast %add3A_950 : i32 to vector<16xi32>
      %add3A_952 = arith.addi %iota3A_949, %add3A_951 : vector<16xi32>
      %gather3A_953 = arith.constant 0 : i32
      %gather3A_954 = arith.constant 0 : i32
      %gather3A_955 = tpu.memref_slice %arg11[%rem3A_878, %gather3A_953, %gather3A_954] : memref<6x64x128xf32, #tpu.memory_space<vmem>> -> memref<1x64x128xf32, #tpu.memory_space<vmem>>
      %gather3A_956 = tpu.memref_squeeze %gather3A_955 : memref<1x64x128xf32, #tpu.memory_space<vmem>> -> memref<64x128xf32, #tpu.memory_space<vmem>>
      %gather3A_957 = tpu.vector_load_idx %gather3A_956[%add3A_952, %broadcast_in_dim3A_947] : memref<64x128xf32, #tpu.memory_space<vmem>>[vector<16xi32>, vector<16xi32>], vector<16xf32>,
      tpu.vector_store_idx %arg13[%broadcast_in_dim3A_948, %add3A_952], %gather3A_957 : memref<32x64xf32, #tpu.memory_space<vmem>>[vector<16xi32>, vector<16xi32>], vector<16xf32>,
      %iota3A_958 = tpu.iota {dimensions = array<i32: 0>} : vector<16xi32>
      %add3A_959 = arith.constant 16 : i32
      %add3A_960 = vector.broadcast %add3A_959 : i32 to vector<16xi32>
      %add3A_961 = arith.addi %iota3A_958, %add3A_960 : vector<16xi32>
      %gather3A_962 = arith.constant 0 : i32
      %gather3A_963 = arith.constant 0 : i32
      %gather3A_964 = tpu.memref_slice %arg11[%rem3A_878, %gather3A_962, %gather3A_963] : memref<6x64x128xf32, #tpu.memory_space<vmem>> -> memref<1x64x128xf32, #tpu.memory_space<vmem>>
      %gather3A_965 = tpu.memref_squeeze %gather3A_964 : memref<1x64x128xf32, #tpu.memory_space<vmem>> -> memref<64x128xf32, #tpu.memory_space<vmem>>
      %gather3A_966 = tpu.vector_load_idx %gather3A_965[%add3A_961, %broadcast_in_dim3A_947] : memref<64x128xf32, #tpu.memory_space<vmem>>[vector<16xi32>, vector<16xi32>], vector<16xf32>,
      tpu.vector_store_idx %arg13[%broadcast_in_dim3A_948, %add3A_961], %gather3A_966 : memref<32x64xf32, #tpu.memory_space<vmem>>[vector<16xi32>, vector<16xi32>], vector<16xf32>,
      %iota3A_967 = tpu.iota {dimensions = array<i32: 0>} : vector<16xi32>
      %add3A_968 = arith.constant 32 : i32
      %add3A_969 = vector.broadcast %add3A_968 : i32 to vector<16xi32>
      %add3A_970 = arith.addi %iota3A_967, %add3A_969 : vector<16xi32>
      %gather3A_971 = arith.constant 0 : i32
      %gather3A_972 = arith.constant 0 : i32
      %gather3A_973 = tpu.memref_slice %arg11[%rem3A_878, %gather3A_971, %gather3A_972] : memref<6x64x128xf32, #tpu.memory_space<vmem>> -> memref<1x64x128xf32, #tpu.memory_space<vmem>>
      %gather3A_974 = tpu.memref_squeeze %gather3A_973 : memref<1x64x128xf32, #tpu.memory_space<vmem>> -> memref<64x128xf32, #tpu.memory_space<vmem>>
      %gather3A_975 = tpu.vector_load_idx %gather3A_974[%add3A_970, %broadcast_in_dim3A_947] : memref<64x128xf32, #tpu.memory_space<vmem>>[vector<16xi32>, vector<16xi32>], vector<16xf32>,
      tpu.vector_store_idx %arg13[%broadcast_in_dim3A_948, %add3A_970], %gather3A_975 : memref<32x64xf32, #tpu.memory_space<vmem>>[vector<16xi32>, vector<16xi32>], vector<16xf32>,
      %iota3A_976 = tpu.iota {dimensions = array<i32: 0>} : vector<16xi32>
      %add3A_977 = arith.constant 48 : i32
      %add3A_978 = vector.broadcast %add3A_977 : i32 to vector<16xi32>
      %add3A_979 = arith.addi %iota3A_976, %add3A_978 : vector<16xi32>
      %gather3A_980 = arith.constant 0 : i32
      %gather3A_981 = arith.constant 0 : i32
      %gather3A_982 = tpu.memref_slice %arg11[%rem3A_878, %gather3A_980, %gather3A_981] : memref<6x64x128xf32, #tpu.memory_space<vmem>> -> memref<1x64x128xf32, #tpu.memory_space<vmem>>
      %gather3A_983 = tpu.memref_squeeze %gather3A_982 : memref<1x64x128xf32, #tpu.memory_space<vmem>> -> memref<64x128xf32, #tpu.memory_space<vmem>>
      %gather3A_984 = tpu.vector_load_idx %gather3A_983[%add3A_979, %broadcast_in_dim3A_947] : memref<64x128xf32, #tpu.memory_space<vmem>>[vector<16xi32>, vector<16xi32>], vector<16xf32>,
      tpu.vector_store_idx %arg13[%broadcast_in_dim3A_948, %add3A_979], %gather3A_984 : memref<32x64xf32, #tpu.memory_space<vmem>>[vector<16xi32>, vector<16xi32>], vector<16xf32>,
      %lt3A = arith.constant 26 : i32
      %lt3A_985 = arith.cmpi slt, %scan3A_877, %lt3A : i32
      %convert_element_type3A = arith.extui %lt3A_985 : i1 to i32
      %cond3A = arith.constant 0 : i32
      %cond3A_986 = arith.cmpi ne, %convert_element_type3A, %cond3A : i32
      scf.if %cond3A_986 {
        %add3A_987 = arith.constant 6 : i32
        %add3A_988 = arith.addi %scan3A_877, %add3A_987 : i32
        %get3A_989 = arith.index_cast %add3A_988 : i32 to index
        %get3A_990 = memref.load %arg14[%get3A_989] : memref<32xi32, #tpu.memory_space<smem>>
        %multiple_of3A_991 = tpu.assume_multiple %get3A_990, 128 : i32
        %dma_start3A_992 = arith.constant 0 : i32
        %dma_start3A_993 = arith.constant 0 : i32
        %dma_start3A_994 = tpu.memref_slice %arg10[%rem3A_878, %dma_start3A_992, %dma_start3A_993] : memref<6x64x128xf32, #tpu.memory_space<vmem>> -> memref<1x64x128xf32, #tpu.memory_space<vmem>>
        %dma_start3A_995 = tpu.memref_squeeze %dma_start3A_994 : memref<1x64x128xf32, #tpu.memory_space<vmem>> -> memref<64x128xf32, #tpu.memory_space<vmem>>
        %dma_start3A_996 = arith.constant 0 : i32
        %dma_start3A_997 = tpu.memref_slice %arg4[%dma_start3A_996, %multiple_of3A_991] : memref<64x100000xf32, #tpu.memory_space<hbm>> -> memref<64x128xf32, #tpu.memory_space<hbm>>
        %dma_start3A_998 = arith.constant 0 : i32
        %dma_start3A_999 = arith.constant 0 : i32
        %dma_start3A_1000 = tpu.memref_slice %arg10[%rem3A_878, %dma_start3A_998, %dma_start3A_999] : memref<6x64x128xf32, #tpu.memory_space<vmem>> -> memref<1x64x128xf32, #tpu.memory_space<vmem>>
        %dma_start3A_1001 = tpu.memref_squeeze %dma_start3A_1000 : memref<1x64x128xf32, #tpu.memory_space<vmem>> -> memref<64x128xf32, #tpu.memory_space<vmem>>
        %dma_start3A_1002 = arith.constant 0 : i32
        %dma_start3A_1003 = tpu.memref_slice %arg4[%dma_start3A_1002, %multiple_of3A_991] : memref<64x100000xf32, #tpu.memory_space<hbm>> -> memref<64x128xf32, #tpu.memory_space<hbm>>
        tpu.enqueue_dma source(%dma_start3A_1003 : memref<64x128xf32, #tpu.memory_space<hbm>>) target(%dma_start3A_1001 : memref<64x128xf32, #tpu.memory_space<vmem>>) target_semaphore(%arg18 : memref<!tpu.dma_semaphore, #tpu.memory_space<semaphore_mem>>)
        %add3A_1004 = arith.constant 6 : i32
        %add3A_1005 = arith.addi %scan3A_877, %add3A_1004 : i32
        %get3A_1006 = arith.index_cast %add3A_1005 : i32 to index
        %get3A_1007 = memref.load %arg16[%get3A_1006] : memref<32xi32, #tpu.memory_space<smem>>
        %multiple_of3A_1008 = tpu.assume_multiple %get3A_1007, 128 : i32
        %dma_start3A_1009 = arith.constant 0 : i32
        %dma_start3A_1010 = arith.constant 0 : i32
        %dma_start3A_1011 = tpu.memref_slice %arg11[%rem3A_878, %dma_start3A_1009, %dma_start3A_1010] : memref<6x64x128xf32, #tpu.memory_space<vmem>> -> memref<1x64x128xf32, #tpu.memory_space<vmem>>
        %dma_start3A_1012 = tpu.memref_squeeze %dma_start3A_1011 : memref<1x64x128xf32, #tpu.memory_space<vmem>> -> memref<64x128xf32, #tpu.memory_space<vmem>>
        %dma_start3A_1013 = arith.constant 0 : i32
        %dma_start3A_1014 = tpu.memref_slice %arg5[%dma_start3A_1013, %multiple_of3A_1008] : memref<64x1000000xf32, #tpu.memory_space<hbm>> -> memref<64x128xf32, #tpu.memory_space<hbm>>
        %dma_start3A_1015 = arith.constant 0 : i32
        %dma_start3A_1016 = arith.constant 0 : i32
        %dma_start3A_1017 = tpu.memref_slice %arg11[%rem3A_878, %dma_start3A_1015, %dma_start3A_1016] : memref<6x64x128xf32, #tpu.memory_space<vmem>> -> memref<1x64x128xf32, #tpu.memory_space<vmem>>
        %dma_start3A_1018 = tpu.memref_squeeze %dma_start3A_1017 : memref<1x64x128xf32, #tpu.memory_space<vmem>> -> memref<64x128xf32, #tpu.memory_space<vmem>>
        %dma_start3A_1019 = arith.constant 0 : i32
        %dma_start3A_1020 = tpu.memref_slice %arg5[%dma_start3A_1019, %multiple_of3A_1008] : memref<64x1000000xf32, #tpu.memory_space<hbm>> -> memref<64x128xf32, #tpu.memory_space<hbm>>
        tpu.enqueue_dma source(%dma_start3A_1020 : memref<64x128xf32, #tpu.memory_space<hbm>>) target(%dma_start3A_1018 : memref<64x128xf32, #tpu.memory_space<vmem>>) target_semaphore(%arg19 : memref<!tpu.dma_semaphore, #tpu.memory_space<semaphore_mem>>)
      } else {
      }
    }
    %scan3A_876 = arith.constant 32 : i32
    "tpu.region"() ({
      %run_scoped3A = tpu.sem_alloc : memref<!tpu.dma_semaphore, #tpu.memory_space<semaphore_mem>>
      %dma_start3A_877 = arith.constant 0 : i32
      %dma_start3A_878 = tpu.memref_slice %arg6[%mul3A_2, %dma_start3A_877] : memref<1024x64xf32, #tpu.memory_space<hbm>> -> memref<32x64xf32, #tpu.memory_space<hbm>>
      %dma_start3A_879 = arith.constant 0 : i32
      %dma_start3A_880 = tpu.memref_slice %arg6[%mul3A_2, %dma_start3A_879] : memref<1024x64xf32, #tpu.memory_space<hbm>> -> memref<32x64xf32, #tpu.memory_space<hbm>>
      tpu.enqueue_dma source(%arg12 : memref<32x64xf32, #tpu.memory_space<vmem>>) target(%dma_start3A_880 : memref<32x64xf32, #tpu.memory_space<hbm>>) target_semaphore(%run_scoped3A : memref<!tpu.dma_semaphore, #tpu.memory_space<semaphore_mem>>)
      %dma_wait3A = arith.constant 0 : i32
      %dma_wait3A_881 = tpu.memref_slice %arg6[%mul3A_2, %dma_wait3A] : memref<1024x64xf32, #tpu.memory_space<hbm>> -> memref<32x64xf32, #tpu.memory_space<hbm>>
      %dma_wait3A_882 = arith.constant 0 : i32
      %dma_wait3A_883 = tpu.memref_slice %arg6[%mul3A_2, %dma_wait3A_882] : memref<1024x64xf32, #tpu.memory_space<hbm>> -> memref<32x64xf32, #tpu.memory_space<hbm>>
      tpu.wait_dma2 semaphore(%run_scoped3A : memref<!tpu.dma_semaphore, #tpu.memory_space<semaphore_mem>>) src(%arg12 : memref<32x64xf32, #tpu.memory_space<vmem>>) dst(%dma_wait3A_883 : memref<32x64xf32, #tpu.memory_space<hbm>>)
      tpu.yield
    }) : () -> ()
    "tpu.region"() ({
      %run_scoped3A = tpu.sem_alloc : memref<!tpu.dma_semaphore, #tpu.memory_space<semaphore_mem>>
      %dma_start3A_877 = arith.constant 0 : i32
      %dma_start3A_878 = tpu.memref_slice %arg7[%mul3A_2, %dma_start3A_877] : memref<1024x64xf32, #tpu.memory_space<hbm>> -> memref<32x64xf32, #tpu.memory_space<hbm>>
      %dma_start3A_879 = arith.constant 0 : i32
      %dma_start3A_880 = tpu.memref_slice %arg7[%mul3A_2, %dma_start3A_879] : memref<1024x64xf32, #tpu.memory_space<hbm>> -> memref<32x64xf32, #tpu.memory_space<hbm>>
      tpu.enqueue_dma source(%arg13 : memref<32x64xf32, #tpu.memory_space<vmem>>) target(%dma_start3A_880 : memref<32x64xf32, #tpu.memory_space<hbm>>) target_semaphore(%run_scoped3A : memref<!tpu.dma_semaphore, #tpu.memory_space<semaphore_mem>>)
      %dma_wait3A = arith.constant 0 : i32
      %dma_wait3A_881 = tpu.memref_slice %arg7[%mul3A_2, %dma_wait3A] : memref<1024x64xf32, #tpu.memory_space<hbm>> -> memref<32x64xf32, #tpu.memory_space<hbm>>
      %dma_wait3A_882 = arith.constant 0 : i32
      %dma_wait3A_883 = tpu.memref_slice %arg7[%mul3A_2, %dma_wait3A_882] : memref<1024x64xf32, #tpu.memory_space<hbm>> -> memref<32x64xf32, #tpu.memory_space<hbm>>
      tpu.wait_dma2 semaphore(%run_scoped3A : memref<!tpu.dma_semaphore, #tpu.memory_space<semaphore_mem>>) src(%arg13 : memref<32x64xf32, #tpu.memory_space<vmem>>) dst(%dma_wait3A_883 : memref<32x64xf32, #tpu.memory_space<hbm>>)
      tpu.yield
    }) : () -> ()
    return
  }
}

module attributes {stable_mosaic.version = 14 : i64} {
  func.func @_combine_body(%arg0: memref<1024x64xf32, #tpu.memory_space<vmem>>, %arg1: memref<1024x64xf32, #tpu.memory_space<vmem>>, %arg2: memref<64x1024xf32, #tpu.memory_space<vmem>>, %arg3: memref<64x1024xf32, #tpu.memory_space<vmem>>, %arg4: memref<64x1024xf32, #tpu.memory_space<vmem>>) attributes {dimension_semantics = [], scalar_prefetch = 0 : i64, scratch_operands = 0 : i64, tpu.core_type = #tpu.core_type<tc>} {
    %get3A = arith.constant 0 : index
    %get3A_0 = arith.constant 0 : index
    %get3A_1 = vector.load %arg0[%get3A, %get3A_0] : memref<1024x64xf32, #tpu.memory_space<vmem>>, vector<1024x64xf32>
    %get3A_2 = arith.constant 0 : index
    %get3A_3 = arith.constant 0 : index
    %get3A_4 = vector.load %arg1[%get3A_2, %get3A_3] : memref<1024x64xf32, #tpu.memory_space<vmem>>, vector<1024x64xf32>
    %reduce_sum3A = arith.constant dense<0.000000e+00> : vector<64xf32>
    %reduce_sum3A_5 = vector.multi_reduction <add>, %get3A_4, %reduce_sum3A [0] : vector<1024x64xf32> to vector<64xf32>
    %broadcast_in_dim3A = vector.shape_cast %reduce_sum3A_5 : vector<64xf32> to vector<1x64xf32>
    %transpose3A = tpu.transpose %get3A_1, [1, 0] : vector<1024x64xf32> -> vector<64x1024xf32>
    %swap3A = arith.constant 0 : index
    %swap3A_6 = arith.constant 0 : index
    %swap3A_7 = vector.load %arg2[%swap3A, %swap3A_6] : memref<64x1024xf32, #tpu.memory_space<vmem>>, vector<64x1024xf32>
    tpu.vector_store %arg2[%swap3A, %swap3A_6], %transpose3A {strides = array<i32>} : memref<64x1024xf32, #tpu.memory_space<vmem>>, vector<64x1024xf32>,
    %transpose3A_8 = tpu.transpose %get3A_4, [1, 0] : vector<1024x64xf32> -> vector<64x1024xf32>
    %swap3A_9 = arith.constant 0 : index
    %swap3A_10 = arith.constant 0 : index
    %swap3A_11 = vector.load %arg3[%swap3A_9, %swap3A_10] : memref<64x1024xf32, #tpu.memory_space<vmem>>, vector<64x1024xf32>
    tpu.vector_store %arg3[%swap3A_9, %swap3A_10], %transpose3A_8 {strides = array<i32>} : memref<64x1024xf32, #tpu.memory_space<vmem>>, vector<64x1024xf32>,
    %transpose3A_12 = tpu.transpose %broadcast_in_dim3A, [1, 0] : vector<1x64xf32> -> vector<64x1xf32>
    %mul3A = vector.broadcast %transpose3A_12 : vector<64x1xf32> to vector<64x1024xf32>
    %mul3A_13 = arith.mulf %transpose3A, %mul3A : vector<64x1024xf32>
    %swap3A_14 = arith.constant 0 : index
    %swap3A_15 = arith.constant 0 : index
    %swap3A_16 = vector.load %arg4[%swap3A_14, %swap3A_15] : memref<64x1024xf32, #tpu.memory_space<vmem>>, vector<64x1024xf32>
    tpu.vector_store %arg4[%swap3A_14, %swap3A_15], %mul3A_13 {strides = array<i32>} : memref<64x1024xf32, #tpu.memory_space<vmem>>, vector<64x1024xf32>,
    return
  }
}

</mosaic_0001>

<sc_bundles>
// kernel: kernel.4.cloned.1.call-start
scs
__scs_entry_jumppad:
0x0: {  	(pc) =	sbr.rel $0x88, $3  }
0x1: {  	(tag) =	ssettag $0x0;
	lr =	simm.s32 $0x1  }
0x2: {  	[smem:$0x3F9D] =	sst lr;
	_ =	strace $0xD0000000  }
0x3: {  	_ = 	snop  }
0x4: {  	_ = 	snop  }
0x5: {  	_ = 	snop  }
0x6: {  	_ = 	snop  }
0x7: {  	_ = 	snop  }
__scs_overlays_trampoline_lowered:
0x8: {  	[smem:$0x3FAC] =	sst s0  }
0x9: {  	[smem:$0x3FAD] =	sst s1  }
0xa: {  	[smem:$0x3FAE] =	sst s2  }
0xb: {  	[smem:$0x3FAF] =	sst s3  }
0xc: {  	[smem:$0x3FB0] =	sst s4  }
0xd: {  	[smem:$0x3FB1] =	sst s5  }
0xe: {  	[smem:$0x3FB2] =	sst s6  }
0xf: {  	[smem:$0x3FB3] =	sst s7  }
0x10: {  	[smem:$0x3FB4] =	sst s8  }
0x11: {  	[smem:$0x3FB5] =	sst s9;
	s0 =	simm.s32 @!p0 $0x0  }
0x12: {  	s1 =	sld [smem:$0x3F9B];
	s0 =	simm.s32 @p0 $0x1  }
0x13: {  	[smem:$0x3FB6] =	sst s0;
	s0 =	simm.s32 @!p1 $0x0  }
0x14: {  	s2 =	sld [smem:$0x3F9A];
	s0 =	simm.s32 @p1 $0x1  }
0x15: {  	[smem:$0x3FB7] =	sst s0;
	s0 =	simm.s32 @!p2 $0x0  }
0x16: {  	s3 =	sld [smem:$0x3FDB];
	s0 =	simm.s32 @p2 $0x1  }
0x17: {  	s4 =	simm.s32 $0x1BF5;
	[smem:$0x3FB9] =	sst s0  }
0x18: {  	s0 =	sld [smem:$0x3F9C];
	_ =	swait.ge [sflag:s4], $0x0  }
0x19: {  	s7 =	sld [smem:$0x3F9D]  }
0x1a: {  	s8 =	sadd.s32 $0xFFFFE003, lr  }
0x1b: {  	s9 =	sadd.s32 $0xFFFFFEF7, lr;
	s5 =	simm.s32 $0xFFFFFFFF;
	p2 =	slt.u32 s8, $0xFFFFF086  }
0x1c: {  	p1 =	slt.u32 s9, $0xF7A;
	s5 =	simm.s32 @!p2 $0x0  }
0x1d: {  	s5 =	simm.s32 @p1 $0x1;
	p0 =	seq.s32 s7, s2  }
0x1e: {  	s7 =	smul.u32 @!p0 $0xF7A, s2;
	p2 =	seq.s32 @!p0 s5, $0x0  }
0x1f: {  	s9 =	smul.u32 $0xF7A, s1;
	s8 =	simm.s32 @!p0 $0x1BF5;
	p2 =	por !p2, p0  }
0x20: {  	[sflag:s8] =	ssyncset.s32 @!p0 $0xFFFFF086;
	s6 =	sadd.s32 @!p0 s3, s7;
	s7 =	simm.s32 @!p0 $0x108  }
0x21: {  	s3 =	sadd.s32 s3, s9;
	s6 =	sadd.s32 @!p0 $0x88, s6;
	s7 =	simm.s32 @p2 $0x1082  }
0x22: {  	[simem:s7], [sflag:s8] =	dma.local @!p0 [hbm:s6], $0xF7A  }
0x23: {  	s9 =	sor.u32 $0xD0000000, s2;
	s6 =	simm.s32 $0x108;
	_ =	swait.ge @!p0 [sflag:s8], $0x0  }
0x24: {  	s3 =	sadd.s32 $0x88, s3;
	s6 =	simm.s32 @!p1 $0x1082;
	[sflag:s4] =	ssyncset.s32 $0xFFFFF086  }
0x25: {  	[simem:s6], [sflag:s4] =	dma.local [hbm:s3], $0xF7A  }
0x26: {  	[smem:$0x3F9D] =	sst s1;
	(tag) =	ssettag s2;
	_ =	strace s9  }
0x27: {  	s1 =	sld [smem:$0x3FAD]  }
0x28: {  	s2 =	sld [smem:$0x3FAE]  }
0x29: {  	s4 =	sld [smem:$0x3FB0]  }
0x2a: {  	p0 =	seq.s32 s5, $0x0;
	s5 =	sld [smem:$0x3FB1]  }
0x2b: {  	s6 =	sld [smem:$0x3FB2]  }
0x2c: {  	s7 =	sld [smem:$0x3FB3]  }
0x2d: {  	s3 =	simm.s32 $0x108;
	s8 =	sld [smem:$0x3FB4]  }
0x2e: {  	s3 =	simm.s32 @!p0 $0x1082;
	s9 =	sld [smem:$0x3FB5]  }
0x2f: {  	lr =	sadd.s32 s0, s3;
	s0 =	sld [smem:$0x3FAC]  }
0x30: {  	s3 =	sld [smem:$0x3FAF]  }
0x31: {  	[smem:$0x3FB8] =	sst s10  }
0x32: {  	s10 =	sld [smem:$0x3FB6];
	_ =	sdelay $0x3  }
0x33: {  	p0 =	seq.s32 s10, $0x1;
	s10 =	sld [smem:$0x3FB8];
	_ =	sdelay $0x3  }
0x34: {  	[smem:$0x3FB8] =	sst s10  }
0x35: {  	s10 =	sld [smem:$0x3FB7];
	_ =	sdelay $0x3  }
0x36: {  	p1 =	seq.s32 s10, $0x1;
	s10 =	sld [smem:$0x3FB8];
	_ =	sdelay $0x3  }
0x37: {  	[smem:$0x3FB8] =	sst s10  }
0x38: {  	s10 =	sld [smem:$0x3FB9]  }
0x39: {  	_ = 	snop;
	(pc) =	sbr.ind lr, $3  }
0x3a: {  	_ = 	snop  }
0x3b: {  	_ = 	snop  }
0x3c: {  	p2 =	seq.s32 s10, $0x1;
	s10 =	sld [smem:$0x3FB8]  }
0x3d: {  	_ =	shalt  }
0x3e: {  	_ =	shalt  }
0x3f: {  	_ =	shalt  }
0x40: {  	_ =	shalt  }
0x41: {  	_ =	shalt  }
0x42: {  	_ =	shalt  }
0x43: {  	_ =	shalt  }
0x44: {  	_ =	shalt  }
0x45: {  	_ =	shalt  }
0x46: {  	_ =	shalt  }
0x47: {  	_ =	shalt  }
0x48: {  	_ =	shalt  }
0x49: {  	_ =	shalt  }
0x4a: {  	_ =	shalt  }
0x4b: {  	_ =	shalt  }
0x4c: {  	_ =	shalt  }
0x4d: {  	_ =	shalt  }
0x4e: {  	_ =	shalt  }
0x4f: {  	_ =	shalt  }
0x50: {  	_ =	shalt  }
0x51: {  	_ =	shalt  }
0x52: {  	_ =	shalt  }
0x53: {  	_ =	shalt  }
0x54: {  	_ =	shalt  }
0x55: {  	_ =	shalt  }
0x56: {  	_ =	shalt  }
0x57: {  	_ =	shalt  }
0x58: {  	_ =	shalt  }
0x59: {  	_ =	shalt  }
0x5a: {  	_ =	shalt  }
0x5b: {  	_ =	shalt  }
0x5c: {  	_ =	shalt  }
0x5d: {  	_ =	shalt  }
0x5e: {  	_ =	shalt  }
0x5f: {  	_ =	shalt  }
0x60: {  	_ =	shalt  }
0x61: {  	_ =	shalt  }
0x62: {  	_ =	shalt  }
0x63: {  	_ =	shalt  }
0x64: {  	_ =	shalt  }
0x65: {  	_ =	shalt  }
0x66: {  	_ =	shalt  }
0x67: {  	_ =	shalt  }
0x68: {  	_ =	shalt  }
0x69: {  	_ =	shalt  }
0x6a: {  	_ =	shalt  }
0x6b: {  	_ =	shalt  }
0x6c: {  	_ =	shalt  }
0x6d: {  	_ =	shalt  }
0x6e: {  	_ =	shalt  }
0x6f: {  	_ =	shalt  }
0x70: {  	_ =	shalt  }
0x71: {  	_ =	shalt  }
0x72: {  	_ =	shalt  }
0x73: {  	_ =	shalt  }
0x74: {  	_ =	shalt  }
0x75: {  	_ =	shalt  }
0x76: {  	_ =	shalt  }
0x77: {  	_ =	shalt  }
0x78: {  	_ =	shalt  }
0x79: {  	_ =	shalt  }
0x7a: {  	_ =	shalt  }
0x7b: {  	_ =	shalt  }
0x7c: {  	_ =	shalt  }
0x7d: {  	_ =	shalt  }
0x7e: {  	_ =	shalt  }
0x7f: {  	_ =	shalt  }
0x80: {  	_ =	shalt  }
0x81: {  	_ =	shalt  }
0x82: {  	_ =	shalt  }
0x83: {  	_ =	shalt  }
0x84: {  	_ =	shalt  }
0x85: {  	_ =	shalt  }
0x86: {  	_ =	shalt  }
0x87: {  	_ =	shalt  }
.Lfunc_end0:
.L_simem_size_0:
called_computation_lowered:
.L_overlay_start_0:
0x88: {  	s2 =	sld [smem:$0x3FD9]  }
0x89: {  	s3 =	sld [smem:$0x3FFE];
	_ =	sdelay $0x1  }
0x8a: {  	s1 =	srdreg.scid  }
0x8b: {  	s0 =	sand.u32 $0x1, s1  }
0x8c: {  	s17 =	sshll.u32 s0, $0xA;
	s2 =	sadd.s32 s3, s2  }
0x8d: {  	s2 =	sadd.s32 s2, s17  }
0x8e: {  	[smem:$0x3FC4] =	sst s2  }
0x8f: {  	_ = 	snop  }
0x90: {  	s2 =	sld [smem:$0x3FC9]  }
0x91: {  	s18 =	sld [smem:$0x3FC8]  }
0x92: {  	s4 =	sld [smem:$0x3FC7]  }
0x93: {  	s5 =	sld [smem:$0x3FC6];
	(tm) =	ssettm $0x1  }
0x94: {  	s6 =	sld [smem:$0x3FFB];
	_ =	sdelay $0x3  }
0x95: {  	_ =	strace s6  }
0x96: {  	s6 =	sld [smem:$0x3FFC];
	_ =	sdelay $0x3  }
0x97: {  	_ =	strace s6  }
0x98: {  	s6 =	sld [smem:$0x3FFD];
	_ =	sdelay $0x3  }
0x99: {  	_ =	strace s6  }
0x9a: {  	_ =	strace $0x8FFFFFFF  }
0x9b: {  	s19 =	sld [smem:$0x3FDB];
	_ =	sdelay $0x1  }
0x9c: {  	s7 =	simm.s32 $_scs_section_size  }
0x9d: {  	s8 =	simm.s32 $_size__tile_overlayer_lowered;
	s9 =	simm.s32 $_tile_overlayer_lowered  }
0x9e: {  	s22 =	simm.s32 $0x1BFF;
	s21 =	sshll.u32 s9, $0x1;
	s6 =	sadd.s32 s7, s19  }
0x9f: {  	s10 =	simm.s32 $0x0;
	s20 =	sshll.u32 s8, $0x1;
	s8 =	sadd.s32 s21, s6  }
0xa0: {  	[timem:s10], [sflag:s22] =	dma.local [hbm:s8], s20  }
0xa1: {  	_ =	swait.ge [sflag:s22], s20  }
0xa2: {  	s7 =	ssub.s32 $0x0, s20;
	[sflag:s22] =	ssyncset.done $0x0  }
0xa3: {  	[sflag:s22] =	ssyncadd.s32 s7;
	_ =	sdelay $0x1  }
0xa4: {  	s23 =	simm.s32 $0x1B8B  }
0xa5: {  	_ =	swait.ge [sflag:s23], $0x1  }
0xa6: {  	[sflag:s23] =	ssyncset.done $0x0  }
0xa7: {  	s25 =	simm.s32 $0x1B8E;
	s24 =	sld [smem:$0x3FFE];
	[sflag:s23] =	ssyncadd.s32 $0xFFFFFFFF  }
0xa8: {  	s26 =	simm.s32 $execute0_lowered;
	[smem:$0x3FD2] =	sst s25  }
0xa9: {  	s8 =	sshll.u32 s26, $0x1;
	_ =	strace $0x80000046;
	[dreg:$0x1] =	wrdreg $0xFFFFFFFF  }
0xaa: {  	s28 =	simm.s32 $_size_execute0_lowered;
	s6 =	sadd.s32 s6, s8;
	[dreg:$0x0] =	wrdreg $0x0  }
0xab: {  	s8 =	sshll.u32 s28, $0x1;
	[dreg:$0x2] =	wrdreg s6  }
0xac: {  	[dreg:$0x3] =	wrdreg s8  }
0xad: {  	[dreg:$0x4] =	wrdreg $0xC0  }
0xae: {  	_ =	task [dreg:s10], $0x5FFFF  }
0xaf: {  	[dreg:$0x1] =	wrdreg $0xFFFFFFFF  }
0xb0: {  	[dreg:$0x0] =	wrdreg $0x60  }
0xb1: {  	[dreg:$0x2] =	wrdreg s2  }
0xb2: {  	[dreg:$0x3] =	wrdreg s18  }
0xb3: {  	[dreg:$0x4] =	wrdreg s4  }
0xb4: {  	[dreg:$0x5] =	wrdreg s5  }
0xb5: {  	[dreg:$0x6] =	wrdreg s24  }
0xb6: {  	[dreg:$0x7] =	wrdreg $0x9  }
0xb7: {  	_ =	task.clear_ibuf [dreg:s10], $0x8FFFF;
	_ =	strace $0x90000046  }
0xb8: {  	s29 =	simm.s32 $0x9;
	_ =	strace $0x80000048  }
0xb9: {  	_ =	swait.ge [sflag:s29], $0x1  }
0xba: {  	[sflag:s29] =	ssyncadd.s32 $0xFFFFFFFF  }
0xbb: {  	_ =	strace $0x90000048  }
0xbc: {  	_ =	sfence  }
0xbd: {  	s30 =	sld [smem:$0x0];
	_ =	sdelay $0x2  }
0xbe: {  	s31 =	sshll.u32 s1, $0xD;
	s1 =	sshrl.u32 s1, $0x2  }
0xbf: {  	s3 =	sand.u32 $0x4000, s31;
	s1 =	sadd.s32 s1, s30  }
0xc0: {  	s0 =	sor.u32 s3, s0;
	s1 =	sshll.u32 s1, $0x11  }
0xc1: {  	s0 =	sor.u32 s1, s0  }
0xc2: {  	s0 =	sadd.s32 $0x8F2B, s0  }
0xc3: {  	[sflag:s0] =	ssyncadd.remote.s32 $0x1  }
0xc4: {  	_ =	sfence.sel $0xFFFF  }
0xc5: {  	[dreg:$0x0] =	wrdreg $0xFFFFFFFF;
	(pc) =	sbr.abs _section_cstart, $3  }
0xc6: {  	[dreg:$0x1] =	wrdreg $0xFFFFFFFF  }
0xc7: {  	_ =	task.clear_ibuf [dreg:s10], $0x2FFFF;
	_ =	strace $0x9FFFFFFF  }
0xc8: {  	(tm) =	ssettm $0x7FFFFFFF  }
0xc9: {  	_ =	shalt  }
tec
execute0_lowered:
.L_overlay_start_1:
0x0: {  	(tag) =	ssettag $0x1  }
0x1: {  	s0 =	rddreg [dreg:$0x0]  }
0x2: {  	s2 =	rddreg [dreg:$0x1]  }
0x3: {  	s1 =	rddreg [dreg:$0x2]  }
0x4: {  	s3 =	rddreg [dreg:$0x3]  }
0x5: {  	s5 =	rddreg [dreg:$0x4]  }
0x6: {  	s4 =	srdreg.scid;
	s7 =	stileid.u32  }
0x7: {  	s10 =	simm.s32 $0x3;
	s11 =	simm.s32 $0x400;
	s12 =	simm.s32 $0xC3800  }
0x8: {  	s14 =	simm.s32 $0x7A1400;
	s23 =	simm.s32 $0x14100;
	s24 =	simm.s32 $0xA100  }
0x9: {  	s25 =	simm.s32 $0x16100;
	s28 =	simm.s32 $0x18100;
	s29 =	simm.s32 $0x2  }
0xa: {  	s30 =	simm.s32 $0x19100;
	s31 =	simm.s32 $0x0;
	s6 =	sand.u32 $0x1, s4  }
0xb: {  	s4 =	simm.s32 $0x0;
	s7 =	sshll.u32 s7, $0x6;
	s8 =	sshll.u32 s6, $0x5  }
0xc: {  	[smem:$0x7FF] =	sst s4;
	s6 =	ssub.s32 $0x2, s6;
	s7 =	sor.u32 s8, s7  }
0xd: {  	v0 =	vlaneseq.u32;
	_ =	strace $0x80000047;
	s26 =	sshrl.u32 s6, $0x1;
	s8 =	sshll.u32 s7, $0x4  }
0xe: {  	v1 =	vmul.u32 $0x80, v0;
	s7 =	sshrl.u32 s7, $0x3;
	s9 =	ssub.s32 s6, s26;
	s26 =	simm.s32 $0x1  }
0xf: {  	v3 =	vor.u32 $0x10, v0;
	v5 =	vor.u32 $0x20, v0;
	v7 =	vor.u32 $0x30, v0;
	s8 =	sadd.s32 s8, s5;
	s5 =	sadd.s32 s0, s7;
	s6 =	sadd.s32 s2, s7  }
0x10: {  	v2 =	vor.u32 $0x800, v1;
	v4 =	vor.u32 $0x1000, v1;
	v6 =	vor.u32 $0x1800, v1;
	s9 =	smax.u32 s9, $0x1;
	s7 =	sadd.s32 $0xE00, s8;
	s8 =	sadd.s32 $0x4E00, s8  }
.LBB2_1:
0x11: {  	[tilespmem:s4], [sflag:$0x3] =	stream.linear.gather [hbm4b:s5+s4], $0x20, $0x38;
	[tilespmem:$0x1A100] =	vst v63  }
0x12: {  	_ =	swait.ge [sflag:s10], $0x20  }
0x13: {  	[sflag:s10] =	ssyncset.done $0x0  }
0x14: {  	s0 =	simm.s32 $0x80;
	[sflag:s10] =	ssyncadd.s32 $0xFFFFFFE0  }
0x15: {  	[tilespmem:s0], [sflag:$0x3] =	stream.linear.gather [hbm4b:s6+s4], $0x20, $0x38;
	[tilespmem:$0x1A100] =	vst v63  }
0x16: {  	_ =	swait.ge [sflag:s10], $0x20  }
0x17: {  	[sflag:s10] =	ssyncset.done $0x0  }
0x18: {  	[sflag:s10] =	ssyncadd.s32 $0xFFFFFFE0  }
0x19: {  	v8 =	vld [tilespmem:$0x0];
	_ =	sdelay $0x1  }
0x1a: {  	v12 =	vld [tilespmem:$0x80];
	_ =	sdelay $0x2  }
0x1b: {  	v11 =	vand.u32 $0xFFFFFF80, v8  }
0x1c: {  	v10 =	vand.u32 $0x7F, v8;
	(v2sf) =	vpush v11, $0x0  }
0x1d: {  	v9 =	vand.u32 $0xFFFFFF80, v12;
	(v2sf) =	vpush v10, $0x0  }
0x1e: {  	v8 =	vand.u32 $0x7F, v12;
	(v2sf) =	vpush v9, $0x0  }
0x1f: {  	(v2sf) =	vpush v8, $0x0  }
0x20: {  	(v2sf) =	vpush v11, $0x1  }
0x21: {  	(v2sf) =	vpush v10, $0x1  }
0x22: {  	(v2sf) =	vpush v9, $0x1  }
0x23: {  	(v2sf) =	vpush v8, $0x1  }
0x24: {  	(v2sf) =	vpush v11, $0x2  }
0x25: {  	(v2sf) =	vpush v10, $0x2  }
0x26: {  	(v2sf) =	vpush v9, $0x2  }
0x27: {  	(v2sf) =	vpush v8, $0x2  }
0x28: {  	(v2sf) =	vpush v11, $0x3  }
0x29: {  	(v2sf) =	vpush v10, $0x3  }
0x2a: {  	(v2sf) =	vpush v9, $0x3  }
0x2b: {  	s18 =	spop (v2sf);
	(v2sf) =	vpush v8, $0x3  }
0x2c: {  	[smem:$0x0] =	sst s18;
	s19 =	spop (v2sf);
	(v2sf) =	vpush v11, $0x4  }
0x2d: {  	[smem:$0x80] =	sst s19;
	s20 =	spop (v2sf);
	(v2sf) =	vpush v10, $0x4  }
0x2e: {  	[smem:$0x100] =	sst s20;
	s21 =	spop (v2sf);
	(v2sf) =	vpush v9, $0x4  }
0x2f: {  	[smem:$0x180] =	sst s21;
	s22 =	spop (v2sf);
	(v2sf) =	vpush v8, $0x4  }
0x30: {  	[smem:$0x1] =	sst s22;
	s2 =	spop (v2sf);
	(v2sf) =	vpush v11, $0x5  }
0x31: {  	[smem:$0x81] =	sst s2;
	s13 =	spop (v2sf);
	(v2sf) =	vpush v10, $0x5  }
0x32: {  	[smem:$0x101] =	sst s13;
	s15 =	spop (v2sf);
	(v2sf) =	vpush v9, $0x5  }
0x33: {  	[smem:$0x181] =	sst s15;
	s16 =	spop (v2sf);
	(v2sf) =	vpush v8, $0x5  }
0x34: {  	[smem:$0x2] =	sst s16;
	s17 =	spop (v2sf);
	(v2sf) =	vpush v11, $0x6  }
0x35: {  	[smem:$0x82] =	sst s17;
	s18 =	spop (v2sf);
	(v2sf) =	vpush v10, $0x6  }
0x36: {  	[smem:$0x102] =	sst s18;
	s19 =	spop (v2sf);
	(v2sf) =	vpush v9, $0x6  }
0x37: {  	[smem:$0x182] =	sst s19;
	s20 =	spop (v2sf);
	(v2sf) =	vpush v8, $0x6  }
0x38: {  	[smem:$0x3] =	sst s20;
	s21 =	spop (v2sf);
	(v2sf) =	vpush v11, $0x7  }
0x39: {  	[smem:$0x83] =	sst s21;
	s22 =	spop (v2sf);
	(v2sf) =	vpush v10, $0x7  }
0x3a: {  	[smem:$0x103] =	sst s22;
	s2 =	spop (v2sf);
	(v2sf) =	vpush v9, $0x7  }
0x3b: {  	[smem:$0x183] =	sst s2;
	s13 =	spop (v2sf);
	(v2sf) =	vpush v8, $0x7  }
0x3c: {  	[smem:$0x4] =	sst s13;
	s15 =	spop (v2sf);
	(v2sf) =	vpush v11, $0x8  }
0x3d: {  	[smem:$0x84] =	sst s15;
	s16 =	spop (v2sf);
	(v2sf) =	vpush v10, $0x8  }
0x3e: {  	[smem:$0x104] =	sst s16;
	s17 =	spop (v2sf);
	(v2sf) =	vpush v9, $0x8  }
0x3f: {  	[smem:$0x184] =	sst s17;
	s18 =	spop (v2sf);
	(v2sf) =	vpush v8, $0x8  }
0x40: {  	[smem:$0x5] =	sst s18;
	s19 =	spop (v2sf);
	(v2sf) =	vpush v11, $0x9  }
0x41: {  	[smem:$0x85] =	sst s19;
	s20 =	spop (v2sf);
	(v2sf) =	vpush v10, $0x9  }
0x42: {  	[smem:$0x105] =	sst s20;
	s21 =	spop (v2sf);
	(v2sf) =	vpush v9, $0x9  }
0x43: {  	[smem:$0x185] =	sst s21;
	s22 =	spop (v2sf);
	(v2sf) =	vpush v8, $0x9  }
0x44: {  	[smem:$0x6] =	sst s22;
	s2 =	spop (v2sf);
	(v2sf) =	vpush v11, $0xA  }
0x45: {  	[smem:$0x86] =	sst s2;
	s13 =	spop (v2sf);
	(v2sf) =	vpush v10, $0xA  }
0x46: {  	[smem:$0x106] =	sst s13;
	s15 =	spop (v2sf);
	(v2sf) =	vpush v9, $0xA  }
0x47: {  	[smem:$0x186] =	sst s15;
	s16 =	spop (v2sf);
	(v2sf) =	vpush v8, $0xA  }
0x48: {  	[smem:$0x7] =	sst s16;
	s17 =	spop (v2sf);
	(v2sf) =	vpush v11, $0xB  }
0x49: {  	[smem:$0x87] =	sst s17;
	s18 =	spop (v2sf);
	(v2sf) =	vpush v10, $0xB  }
0x4a: {  	[smem:$0x107] =	sst s18;
	s19 =	spop (v2sf);
	(v2sf) =	vpush v9, $0xB  }
0x4b: {  	[smem:$0x187] =	sst s19;
	s20 =	spop (v2sf);
	(v2sf) =	vpush v8, $0xB  }
0x4c: {  	[smem:$0x8] =	sst s20;
	s21 =	spop (v2sf);
	(v2sf) =	vpush v11, $0xC  }
0x4d: {  	[smem:$0x88] =	sst s21;
	s22 =	spop (v2sf);
	(v2sf) =	vpush v10, $0xC  }
0x4e: {  	[smem:$0x108] =	sst s22;
	s2 =	spop (v2sf);
	(v2sf) =	vpush v9, $0xC  }
0x4f: {  	[smem:$0x188] =	sst s2;
	s13 =	spop (v2sf);
	(v2sf) =	vpush v8, $0xC  }
0x50: {  	[smem:$0x9] =	sst s13;
	s15 =	spop (v2sf);
	(v2sf) =	vpush v11, $0xD  }
0x51: {  	[smem:$0x89] =	sst s15;
	s16 =	spop (v2sf);
	(v2sf) =	vpush v10, $0xD  }
0x52: {  	[smem:$0x109] =	sst s16;
	s17 =	spop (v2sf);
	(v2sf) =	vpush v9, $0xD  }
0x53: {  	[smem:$0x189] =	sst s17;
	s18 =	spop (v2sf);
	(v2sf) =	vpush v8, $0xD  }
0x54: {  	[smem:$0xA] =	sst s18;
	s19 =	spop (v2sf);
	(v2sf) =	vpush v11, $0xE  }
0x55: {  	[smem:$0x8A] =	sst s19;
	s20 =	spop (v2sf);
	(v2sf) =	vpush v10, $0xE  }
0x56: {  	v51 =	vld [tilespmem:$0x10];
	[smem:$0x10A] =	sst s20;
	s21 =	spop (v2sf);
	(v2sf) =	vpush v9, $0xE  }
0x57: {  	[smem:$0x18A] =	sst s21;
	s22 =	spop (v2sf);
	(v2sf) =	vpush v8, $0xE  }
0x58: {  	v52 =	vld [tilespmem:$0x90];
	[smem:$0xB] =	sst s22;
	s2 =	spop (v2sf);
	(v2sf) =	vpush v11, $0xF  }
0x59: {  	[smem:$0x8B] =	sst s2;
	s13 =	spop (v2sf);
	(v2sf) =	vpush v10, $0xF  }
0x5a: {  	[smem:$0x10B] =	sst s13;
	s15 =	spop (v2sf);
	(v2sf) =	vpush v9, $0xF  }
0x5b: {  	[smem:$0x18B] =	sst s15;
	s16 =	spop (v2sf);
	(v2sf) =	vpush v8, $0xF;
	v8 =	vand.u32 $0xFFFFFF80, v51  }
0x5c: {  	v53 =	vand.u32 $0x7F, v51;
	[smem:$0xC] =	sst s16;
	s17 =	spop (v2sf);
	(v2sf) =	vpush v8, $0x0  }
0x5d: {  	v54 =	vand.u32 $0xFFFFFF80, v52;
	[smem:$0x8C] =	sst s17;
	s18 =	spop (v2sf);
	(v2sf) =	vpush v53, $0x0  }
0x5e: {  	v11 =	vand.u32 $0x7F, v52;
	[smem:$0x10C] =	sst s18;
	s19 =	spop (v2sf);
	(v2sf) =	vpush v54, $0x0  }
0x5f: {  	[smem:$0x18C] =	sst s19;
	s20 =	spop (v2sf);
	(v2sf) =	vpush v11, $0x0  }
0x60: {  	[smem:$0xD] =	sst s20;
	s21 =	spop (v2sf);
	(v2sf) =	vpush v8, $0x1  }
0x61: {  	[smem:$0x8D] =	sst s21;
	s22 =	spop (v2sf);
	(v2sf) =	vpush v53, $0x1  }
0x62: {  	[smem:$0x10D] =	sst s22;
	s2 =	spop (v2sf);
	(v2sf) =	vpush v54, $0x1  }
0x63: {  	[smem:$0x18D] =	sst s2;
	s13 =	spop (v2sf);
	(v2sf) =	vpush v11, $0x1  }
0x64: {  	[smem:$0xE] =	sst s13;
	s15 =	spop (v2sf);
	(v2sf) =	vpush v8, $0x2  }
0x65: {  	[smem:$0x8E] =	sst s15;
	s16 =	spop (v2sf);
	(v2sf) =	vpush v53, $0x2  }
0x66: {  	[smem:$0x10E] =	sst s16;
	s17 =	spop (v2sf);
	(v2sf) =	vpush v54, $0x2  }
0x67: {  	[smem:$0x18E] =	sst s17;
	s18 =	spop (v2sf);
	(v2sf) =	vpush v11, $0x2  }
0x68: {  	[smem:$0xF] =	sst s18;
	s19 =	spop (v2sf);
	(v2sf) =	vpush v8, $0x3  }
0x69: {  	[smem:$0x8F] =	sst s19;
	s20 =	spop (v2sf);
	(v2sf) =	vpush v53, $0x3  }
0x6a: {  	[smem:$0x10F] =	sst s20;
	s21 =	spop (v2sf);
	(v2sf) =	vpush v54, $0x3  }
0x6b: {  	[smem:$0x18F] =	sst s21;
	s22 =	spop (v2sf);
	(v2sf) =	vpush v11, $0x3  }
0x6c: {  	[smem:$0x10] =	sst s22;
	s2 =	spop (v2sf);
	(v2sf) =	vpush v8, $0x4  }
0x6d: {  	[smem:$0x90] =	sst s2;
	s13 =	spop (v2sf);
	(v2sf) =	vpush v53, $0x4  }
0x6e: {  	[smem:$0x110] =	sst s13;
	s15 =	spop (v2sf);
	(v2sf) =	vpush v54, $0x4  }
0x6f: {  	[smem:$0x190] =	sst s15;
	s16 =	spop (v2sf);
	(v2sf) =	vpush v11, $0x4  }
0x70: {  	[smem:$0x11] =	sst s16;
	s17 =	spop (v2sf);
	(v2sf) =	vpush v8, $0x5  }
0x71: {  	[smem:$0x91] =	sst s17;
	s18 =	spop (v2sf);
	(v2sf) =	vpush v53, $0x5  }
0x72: {  	[smem:$0x111] =	sst s18;
	s19 =	spop (v2sf);
	(v2sf) =	vpush v54, $0x5  }
0x73: {  	[smem:$0x191] =	sst s19;
	s20 =	spop (v2sf);
	(v2sf) =	vpush v11, $0x5  }
0x74: {  	[smem:$0x12] =	sst s20;
	s21 =	spop (v2sf);
	(v2sf) =	vpush v8, $0x6  }
0x75: {  	[smem:$0x92] =	sst s21;
	s22 =	spop (v2sf);
	(v2sf) =	vpush v53, $0x6  }
0x76: {  	[smem:$0x112] =	sst s22;
	s2 =	spop (v2sf);
	(v2sf) =	vpush v54, $0x6  }
0x77: {  	[smem:$0x192] =	sst s2;
	s13 =	spop (v2sf);
	(v2sf) =	vpush v11, $0x6  }
0x78: {  	[smem:$0x13] =	sst s13;
	s15 =	spop (v2sf);
	(v2sf) =	vpush v8, $0x7  }
0x79: {  	[smem:$0x93] =	sst s15;
	s16 =	spop (v2sf);
	(v2sf) =	vpush v53, $0x7  }
0x7a: {  	[smem:$0x113] =	sst s16;
	s17 =	spop (v2sf);
	(v2sf) =	vpush v54, $0x7  }
0x7b: {  	[smem:$0x193] =	sst s17;
	s18 =	spop (v2sf);
	(v2sf) =	vpush v11, $0x7  }
0x7c: {  	[smem:$0x14] =	sst s18;
	s19 =	spop (v2sf);
	(v2sf) =	vpush v8, $0x8  }
0x7d: {  	[smem:$0x94] =	sst s19;
	s20 =	spop (v2sf);
	(v2sf) =	vpush v53, $0x8  }
0x7e: {  	[smem:$0x114] =	sst s20;
	s21 =	spop (v2sf);
	(v2sf) =	vpush v54, $0x8  }
0x7f: {  	[smem:$0x194] =	sst s21;
	s22 =	spop (v2sf);
	(v2sf) =	vpush v11, $0x8  }
0x80: {  	[smem:$0x15] =	sst s22;
	s2 =	spop (v2sf);
	(v2sf) =	vpush v8, $0x9  }
0x81: {  	[smem:$0x95] =	sst s2;
	s13 =	spop (v2sf);
	(v2sf) =	vpush v53, $0x9  }
0x82: {  	[smem:$0x115] =	sst s13;
	s15 =	spop (v2sf);
	(v2sf) =	vpush v54, $0x9  }
0x83: {  	[smem:$0x195] =	sst s15;
	s16 =	spop (v2sf);
	(v2sf) =	vpush v11, $0x9  }
0x84: {  	[smem:$0x16] =	sst s16;
	s17 =	spop (v2sf);
	(v2sf) =	vpush v8, $0xA  }
0x85: {  	[smem:$0x96] =	sst s17;
	s18 =	spop (v2sf);
	(v2sf) =	vpush v53, $0xA  }
0x86: {  	[smem:$0x116] =	sst s18;
	s19 =	spop (v2sf);
	(v2sf) =	vpush v54, $0xA  }
0x87: {  	[smem:$0x196] =	sst s19;
	s20 =	spop (v2sf);
	(v2sf) =	vpush v11, $0xA  }
0x88: {  	[smem:$0x17] =	sst s20;
	s21 =	spop (v2sf);
	(v2sf) =	vpush v8, $0xB  }
0x89: {  	[smem:$0x97] =	sst s21;
	s22 =	spop (v2sf);
	(v2sf) =	vpush v53, $0xB  }
0x8a: {  	[smem:$0x117] =	sst s22;
	s2 =	spop (v2sf);
	(v2sf) =	vpush v54, $0xB  }
0x8b: {  	[smem:$0x197] =	sst s2;
	s13 =	spop (v2sf);
	(v2sf) =	vpush v11, $0xB  }
0x8c: {  	[smem:$0x18] =	sst s13;
	s15 =	spop (v2sf);
	(v2sf) =	vpush v8, $0xC  }
0x8d: {  	[smem:$0x98] =	sst s15;
	s16 =	spop (v2sf);
	(v2sf) =	vpush v53, $0xC  }
0x8e: {  	[smem:$0x118] =	sst s16;
	s17 =	spop (v2sf);
	(v2sf) =	vpush v54, $0xC  }
0x8f: {  	[smem:$0x198] =	sst s17;
	s18 =	spop (v2sf);
	(v2sf) =	vpush v11, $0xC  }
0x90: {  	[smem:$0x19] =	sst s18;
	s19 =	spop (v2sf);
	(v2sf) =	vpush v8, $0xD  }
0x91: {  	[smem:$0x99] =	sst s19;
	s20 =	spop (v2sf);
	(v2sf) =	vpush v53, $0xD  }
0x92: {  	[smem:$0x119] =	sst s20;
	s21 =	spop (v2sf);
	(v2sf) =	vpush v54, $0xD  }
0x93: {  	[smem:$0x199] =	sst s21;
	s22 =	spop (v2sf);
	(v2sf) =	vpush v11, $0xD  }
0x94: {  	[smem:$0x1A] =	sst s22;
	s2 =	spop (v2sf);
	(v2sf) =	vpush v8, $0xE  }
0x95: {  	[smem:$0x9A] =	sst s2;
	s13 =	spop (v2sf);
	(v2sf) =	vpush v53, $0xE  }
0x96: {  	[smem:$0x11A] =	sst s13;
	s15 =	spop (v2sf);
	(v2sf) =	vpush v54, $0xE  }
0x97: {  	[smem:$0x19A] =	sst s15;
	s16 =	spop (v2sf);
	(v2sf) =	vpush v11, $0xE  }
0x98: {  	[smem:$0x1B] =	sst s16;
	s17 =	spop (v2sf);
	(v2sf) =	vpush v8, $0xF  }
0x99: {  	[smem:$0x9B] =	sst s17;
	s18 =	spop (v2sf);
	(v2sf) =	vpush v53, $0xF  }
0x9a: {  	[smem:$0x11B] =	sst s18;
	s19 =	spop (v2sf);
	(v2sf) =	vpush v54, $0xF  }
0x9b: {  	[smem:$0x19B] =	sst s19;
	s20 =	spop (v2sf);
	(v2sf) =	vpush v11, $0xF  }
0x9c: {  	s2 =	spop (v2sf);
	[smem:$0x1C] =	sst s20  }
0x9d: {  	s21 =	spop (v2sf);
	[smem:$0x9C] =	sst s2  }
0x9e: {  	s22 =	spop (v2sf);
	[smem:$0x11C] =	sst s21  }
0x9f: {  	s13 =	spop (v2sf);
	[smem:$0x19C] =	sst s22  }
0xa0: {  	s15 =	spop (v2sf);
	[smem:$0x1D] =	sst s13  }
0xa1: {  	s16 =	spop (v2sf);
	[smem:$0x9D] =	sst s15  }
0xa2: {  	s17 =	spop (v2sf);
	[smem:$0x11D] =	sst s16  }
0xa3: {  	s18 =	spop (v2sf);
	[smem:$0x19D] =	sst s17  }
0xa4: {  	s19 =	spop (v2sf);
	[smem:$0x1E] =	sst s18  }
0xa5: {  	s20 =	spop (v2sf);
	[smem:$0x9E] =	sst s19  }
0xa6: {  	s21 =	spop (v2sf);
	[smem:$0x11E] =	sst s20  }
0xa7: {  	s22 =	spop (v2sf);
	[smem:$0x19E] =	sst s21  }
0xa8: {  	s13 =	spop (v2sf);
	[smem:$0x1F] =	sst s22  }
0xa9: {  	s15 =	spop (v2sf);
	[smem:$0x9F] =	sst s13  }
0xaa: {  	[smem:$0x11F] =	sst s15;
	s16 =	spop (v2sf)  }
0xab: {  	[smem:$0x19F] =	sst s16  }
0xac: {  	s0 =	sld [smem:$0x0]  }
0xad: {  	s2 =	sld [smem:$0x100]  }
0xae: {  	s19 =	simm.s32 $0xC100;
	s18 =	sld [smem:$0x1]  }
0xaf: {  	s22 =	simm.s32 $0x2100;
	s13 =	simm.s32 $0x100;
	s21 =	sld [smem:$0x101]  }
0xb0: {  	s16 =	simm.s32 $0xE100;
	s15 =	sld [smem:$0x2];
	s0 =	sand.u32 $0xFFFFF80, s0  }
0xb1: {  	s20 =	sand.u32 $0xFFFFF80, s18;
	s18 =	sld [smem:$0x102];
	s0 =	sadd.s32 s1, s0  }
0xb2: {  	[tilespmem:s13], [sflag:$0x1] =	stream.strided.gather [hbm4b:s0+s11], $0x2000, s12, s11, $0x38;
	[tilespmem:$0x1A100] =	vst v63  }
0xb3: {  	s17 =	sand.u32 $0xFFFFF80, s2;
	s13 =	sand.u32 $0xFFFFF80, s21;
	s21 =	sld [smem:$0x3]  }
0xb4: {  	s0 =	sadd.s32 s3, s17;
	s17 =	sand.u32 $0xFFFFF80, s15;
	s15 =	sld [smem:$0x103]  }
0xb5: {  	[tilespmem:s19], [sflag:$0x2] =	stream.strided.gather [hbm4b:s0+s11], $0x2000, s14, s11, $0x38;
	[tilespmem:$0x1A100] =	vst v63  }
0xb6: {  	s0 =	sadd.s32 s1, s20;
	s19 =	simm.s32 $0x4100;
	s20 =	sand.u32 $0xFFFFF80, s18  }
0xb7: {  	[tilespmem:s22], [sflag:$0x1] =	stream.strided.gather [hbm4b:s0+s11], $0x2000, s12, s11, $0x38;
	[tilespmem:$0x1A100] =	vst v63  }
0xb8: {  	s18 =	sld [smem:$0x4];
	s0 =	sadd.s32 s3, s13;
	s22 =	simm.s32 $0x10100  }
0xb9: {  	[tilespmem:s16], [sflag:$0x2] =	stream.strided.gather [hbm4b:s0+s11], $0x2000, s14, s11, $0x38;
	[tilespmem:$0x1A100] =	vst v63  }
0xba: {  	s13 =	sand.u32 $0xFFFFF80, s21;
	s21 =	sld [smem:$0x104];
	s0 =	sadd.s32 s1, s17  }
0xbb: {  	[tilespmem:s19], [sflag:$0x1] =	stream.strided.gather [hbm4b:s0+s11], $0x2000, s12, s11, $0x38;
	[tilespmem:$0x1A100] =	vst v63  }
0xbc: {  	s16 =	simm.s32 $0x6100;
	s17 =	sand.u32 $0xFFFFF80, s15;
	s0 =	sadd.s32 s3, s20  }
0xbd: {  	[tilespmem:s22], [sflag:$0x2] =	stream.strided.gather [hbm4b:s0+s11], $0x2000, s14, s11, $0x38;
	[tilespmem:$0x1A100] =	vst v63  }
0xbe: {  	s15 =	sld [smem:$0x5];
	s19 =	simm.s32 $0x12100;
	s0 =	sadd.s32 s1, s13  }
0xbf: {  	[tilespmem:s16], [sflag:$0x1] =	stream.strided.gather [hbm4b:s0+s11], $0x2000, s12, s11, $0x38;
	[tilespmem:$0x1A100] =	vst v63  }
0xc0: {  	s20 =	sand.u32 $0xFFFFF80, s18;
	s22 =	simm.s32 $0x8100;
	s0 =	sadd.s32 s3, s17  }
0xc1: {  	[tilespmem:s19], [sflag:$0x2] =	stream.strided.gather [hbm4b:s0+s11], $0x2000, s14, s11, $0x38;
	[tilespmem:$0x1A100] =	vst v63  }
0xc2: {  	s13 =	sand.u32 $0xFFFFF80, s21;
	s17 =	sld [smem:$0x105];
	s0 =	sadd.s32 s1, s20  }
0xc3: {  	[tilespmem:s22], [sflag:$0x1] =	stream.strided.gather [hbm4b:s0+s11], $0x2000, s12, s11, $0x38;
	[tilespmem:$0x1A100] =	vst v63  }
0xc4: {  	s16 =	sand.u32 $0xFFFFF80, s15;
	s0 =	sadd.s32 s3, s13  }
0xc5: {  	[tilespmem:s23], [sflag:$0x2] =	stream.strided.gather [hbm4b:s0+s11], $0x2000, s14, s11, $0x38;
	[tilespmem:$0x1A100] =	vst v63  }
0xc6: {  	s18 =	sand.u32 $0xFFFFF80, s17;
	s0 =	sadd.s32 s1, s16  }
0xc7: {  	[tilespmem:s24], [sflag:$0x1] =	stream.strided.gather [hbm4b:s0+s11], $0x2000, s12, s11, $0x38;
	[tilespmem:$0x1A100] =	vst v63  }
0xc8: {  	s0 =	sadd.s32 s3, s18  }
0xc9: {  	[tilespmem:s25], [sflag:$0x2] =	stream.strided.gather [hbm4b:s0+s11], $0x2000, s14, s11, $0x38;
	[tilespmem:$0x1A100] =	vst v63  }
0xca: {  	_ =	swait.ge [sflag:s26], $0x2000  }
0xcb: {  	s19 =	smul.u32 $0xAB, s4;
	[sflag:s26] =	ssyncset.done $0x0  }
0xcc: {  	[sflag:s26] =	ssyncadd.s32 $0xFFFFE000  }
0xcd: {  	s0 =	sshrl.u32 s19, $0xA;
	s20 =	sld [smem:$0x80]  }
0xce: {  	s0 =	sand.u32 $0x3F, s0  }
0xcf: {  	s0 =	smul.u32 $0x6, s0  }
0xd0: {  	v8 =	vadd.s32 s20, v1  }
0xd1: {  	s0 =	ssub.s32 $0x0, s0  }
0xd2: {  	s0 =	sand.u32 $0xFF, s0  }
0xd3: {  	s17 =	sshll.u32 s0, $0xD  }
0xd4: {  	s21 =	simm.s32 $0x0;
	s13 =	sor.u32 $0x100, s17  }
0xd5: {  	v55 =	vor.u32 s21, v0;
	v8 =	vld.idx.msk [tilespmem:v8+s13+$0x0], $0xffff  }
0xd6: {  	v56 =	vadd.s32 s20, v2;
	_ =	sdelay $0x3  }
0xd7: {  	[tilespmem:v55+s28+$0x0] =	vst.idx.msk $0xffff, v8  }
0xd8: {  	v57 =	vor.u32 s21, v3;
	v8 =	vld.idx.msk [tilespmem:v56+s13+$0x0], $0xffff  }
0xd9: {  	v58 =	vadd.s32 s20, v4;
	_ =	sdelay $0x3  }
0xda: {  	[tilespmem:v57+s28+$0x0] =	vst.idx.msk $0xffff, v8  }
0xdb: {  	v59 =	vor.u32 s21, v5;
	v8 =	vld.idx.msk [tilespmem:v58+s13+$0x0], $0xffff  }
0xdc: {  	v60 =	vadd.s32 s20, v6;
	_ =	sdelay $0x3  }
0xdd: {  	[tilespmem:v59+s28+$0x0] =	vst.idx.msk $0xffff, v8  }
0xde: {  	v61 =	vor.u32 s21, v7;
	v8 =	vld.idx.msk [tilespmem:v60+s13+$0x0], $0xffff;
	_ =	sdelay $0x4  }
0xdf: {  	[tilespmem:v61+s28+$0x0] =	vst.idx.msk $0xffff, v8  }
0xe0: {  	_ =	swait.ge [sflag:s29], $0x2000  }
0xe1: {  	[sflag:s29] =	ssyncset.done $0x0  }
0xe2: {  	[sflag:s29] =	ssyncadd.s32 $0xFFFFE000  }
0xe3: {  	s22 =	sld [smem:$0x180];
	_ =	sdelay $0x2  }
0xe4: {  	v8 =	vadd.s32 s22, v1;
	_ =	sdelay $0x2  }
0xe5: {  	p1 =	por $0x0, $0x0  }
0xe6: {  	s2 =	sld @!p1 [smem:$0x6]  }
0xe7: {  	s15 =	sld @!p1 [smem:$0x106];
	v8 =	vld.idx.msk [tilespmem:v8+s17+$0xC100], $0xffff  }
0xe8: {  	v13 =	vadd.s32 s22, v2;
	_ =	sdelay $0x3  }
0xe9: {  	[tilespmem:v55+s30+$0x0] =	vst.idx.msk $0xffff, v8  }
0xea: {  	v8 =	vld.idx.msk [tilespmem:v13+s17+$0xC100], $0xffff  }
0xeb: {  	v62 =	vadd.s32 s22, v4;
	_ =	sdelay $0x3  }
0xec: {  	[tilespmem:v57+s30+$0x0] =	vst.idx.msk $0xffff, v8  }
0xed: {  	v8 =	vld.idx.msk [tilespmem:v62+s17+$0xC100], $0xffff  }
0xee: {  	v63 =	vadd.s32 s22, v6;
	_ =	sdelay $0x3  }
0xef: {  	[tilespmem:v59+s30+$0x0] =	vst.idx.msk $0xffff, v8  }
0xf0: {  	v8 =	vld.idx.msk [tilespmem:v63+s17+$0xC100], $0xffff;
	_ =	sdelay $0x1  }
0xf1: {  	s19 =	simm.s32 @!p1 $0x400  }
0xf2: {  	s0 =	simm.s32 $0x1;
	s20 =	simm.s32 @!p1 $0x7A1400;
	s16 =	sand.u32 @!p1 $0xFFFFF80, s2  }
0xf3: {  	s2 =	simm.s32 $0x81;
	s18 =	sand.u32 @!p1 $0xFFFFF80, s15;
	s15 =	sadd.s32 @!p1 s1, s16  }
0xf4: {  	s16 =	simm.s32 @!p1 $0xC3800;
	s18 =	sadd.s32 @!p1 s3, s18;
	s17 =	sadd.s32 $0xC100, s17;
	[tilespmem:v61+s30+$0x0] =	vst.idx.msk $0xffff, v8  }
0xf5: {  	[tilespmem:s13], [sflag:$0x1] =	stream.strided.gather @!p1 [hbm4b:s15+s19], $0x2000, s16, s19, $0x38;
	[tilespmem:$0x1A100] =	vst v63  }
0xf6: {  	s13 =	simm.s32 $0x7;
	s15 =	simm.s32 $0x107;
	s16 =	simm.s32 $0x181  }
.LBB2_2:
0xf7: {  	[tilespmem:s17], [sflag:$0x2] =	stream.strided.gather @!p1 [hbm4b:s18+s19], $0x2000, s20, s19, $0x38;
	[tilespmem:$0x1A100] =	vst v63  }
0xf8: {  	s19 =	smov.u32 s0;
	s0 =	sadd.s32 $0x1, s0;
	_ =	swait.ge [sflag:s26], $0x2000  }
0xf9: {  	s17 =	smul.u32 $0xAB, s19;
	p0 =	sne.s32 s0, $0x20;
	[sflag:s26] =	ssyncset.done $0x0  }
0xfa: {  	[sflag:s26] =	ssyncadd.s32 $0xFFFFE000  }
0xfb: {  	s17 =	sshrl.u32 s17, $0xA;
	s20 =	sld [smem:s2+$0x0]  }
0xfc: {  	s17 =	sand.u32 $0x3F, s17  }
0xfd: {  	s17 =	smul.u32 $0x6, s17  }
0xfe: {  	v8 =	vadd.s32 s20, v1  }
0xff: {  	s17 =	ssub.s32 s19, s17  }
0x100: {  	s17 =	sand.u32 $0xFF, s17  }
0x101: {  	s17 =	sshll.u32 s17, $0xD  }
0x102: {  	s18 =	sor.u32 $0x100, s17  }
0x103: {  	s21 =	sshll.u32 s19, $0x7;
	v8 =	vld.idx.msk [tilespmem:v8+s18+$0x0], $0xffff  }
0x104: {  	v9 =	vor.u32 s21, v0  }
0x105: {  	v10 =	vadd.s32 s20, v2;
	_ =	sdelay $0x3  }
0x106: {  	[tilespmem:v9+s28+$0x0] =	vst.idx.msk $0xffff, v8  }
0x107: {  	v8 =	vld.idx.msk [tilespmem:v10+s18+$0x0], $0xffff  }
0x108: {  	v10 =	vor.u32 s21, v3  }
0x109: {  	v11 =	vadd.s32 s20, v4;
	_ =	sdelay $0x3  }
0x10a: {  	[tilespmem:v10+s28+$0x0] =	vst.idx.msk $0xffff, v8  }
0x10b: {  	v8 =	vld.idx.msk [tilespmem:v11+s18+$0x0], $0xffff  }
0x10c: {  	v11 =	vor.u32 s21, v5  }
0x10d: {  	v12 =	vadd.s32 s20, v6;
	_ =	sdelay $0x3  }
0x10e: {  	[tilespmem:v11+s28+$0x0] =	vst.idx.msk $0xffff, v8  }
0x10f: {  	v8 =	vld.idx.msk [tilespmem:v12+s18+$0x0], $0xffff  }
0x110: {  	v12 =	vor.u32 s21, v7;
	_ =	sdelay $0x4  }
0x111: {  	[tilespmem:v12+s28+$0x0] =	vst.idx.msk $0xffff, v8  }
0x112: {  	_ =	swait.ge [sflag:s29], $0x2000  }
0x113: {  	[sflag:s29] =	ssyncset.done $0x0  }
0x114: {  	[sflag:s29] =	ssyncadd.s32 $0xFFFFE000  }
0x115: {  	p1 =	sgt.u32 s19, $0x19;
	s20 =	sld [smem:s16+$0x0]  }
0x116: {  	s19 =	sld @!p1 [smem:s13+$0x0]  }
0x117: {  	s21 =	sld @!p1 [smem:s15+$0x0]  }
0x118: {  	v8 =	vadd.s32 s20, v1  }
0x119: {  	s19 =	sand.u32 @!p1 $0xFFFFF80, s19  }
0x11a: {  	s21 =	sand.u32 @!p1 $0xFFFFF80, s21;
	_ =	sdelay $0x2  }
0x11b: {  	v8 =	vld.idx.msk [tilespmem:v8+s17+$0xC100], $0xffff;
	_ =	sdelay $0x1  }
0x11c: {  	v13 =	vadd.s32 s20, v2;
	_ =	sdelay $0x3  }
0x11d: {  	[tilespmem:v9+s30+$0x0] =	vst.idx.msk $0xffff, v8  }
0x11e: {  	v8 =	vld.idx.msk [tilespmem:v13+s17+$0xC100], $0xffff;
	_ =	sdelay $0x1  }
0x11f: {  	v9 =	vadd.s32 s20, v4;
	_ =	sdelay $0x3  }
0x120: {  	[tilespmem:v10+s30+$0x0] =	vst.idx.msk $0xffff, v8  }
0x121: {  	v8 =	vld.idx.msk [tilespmem:v9+s17+$0xC100], $0xffff;
	_ =	sdelay $0x1  }
0x122: {  	v9 =	vadd.s32 s20, v6;
	_ =	sdelay $0x3  }
0x123: {  	[tilespmem:v11+s30+$0x0] =	vst.idx.msk $0xffff, v8  }
0x124: {  	v8 =	vld.idx.msk [tilespmem:v9+s17+$0xC100], $0xffff;
	_ =	sdelay $0x3  }
.Ltmp0:
0x125: {  	s2 =	sadd.s32 $0x1, s2;
	(pc) =	sbr.rel @p0 .LBB2_2-.Ltmp0, $4  }
0x126: {  	s16 =	sadd.s32 $0x1, s16;
	s13 =	sadd.s32 $0x1, s13;
	s15 =	sadd.s32 $0x1, s15  }
0x127: {  	s22 =	simm.s32 @!p1 $0xC3800;
	s20 =	sadd.s32 @!p1 s1, s19;
	s19 =	simm.s32 @!p1 $0x400;
	[tilespmem:v12+s30+$0x0] =	vst.idx.msk $0xffff, v8  }
0x128: {  	[tilespmem:s18], [sflag:$0x1] =	stream.strided.gather @!p1 [hbm4b:s20+s19], $0x2000, s22, s19, $0x38;
	[tilespmem:$0x1A100] =	vst v63  }
0x129: {  	s17 =	sadd.s32 $0xC100, s17;
	s18 =	sadd.s32 @!p1 s3, s21;
	s20 =	simm.s32 @!p1 $0x7A1400  }
0x12a: {  	[tilespmem:s17], [sflag:$0x2] =	stream.strided.gather @!p1 [hbm4b:s18+s19], $0x2000, s20, s19, $0x38;
	[tilespmem:$0x1A100] =	vst v63  }
0x12b: {  	_ = 	snop  }
0x12c: {  	[hbm4b:s7+s4] =	stream.linear.scatter [tilespmem:s28], [sflag:$0x3], $0x1000, $0x38;
	[tilespmem:$0x1A100] =	vst v63  }
0x12d: {  	s31 =	sadd.s32 $0x1, s31;
	_ =	swait.ge [sflag:s10], $0x1000  }
0x12e: {  	p0 =	sne.s32 s31, s9;
	[sflag:s10] =	ssyncset.done $0x0  }
.Ltmp1:
0x12f: {  	[sflag:s10] =	ssyncadd.s32 $0xFFFFF000;
	(pc) =	sbr.rel @p0 .LBB2_1-.Ltmp1, $4  }
0x130: {  	[hbm4b:s8+s4] =	stream.linear.scatter [tilespmem:s30], [sflag:$0x3], $0x1000, $0x38;
	[tilespmem:$0x1A100] =	vst v63  }
0x131: {  	_ =	swait.ge [sflag:s10], $0x1000  }
0x132: {  	[sflag:s10] =	ssyncset.done $0x0  }
0x133: {  	[sflag:s10] =	ssyncadd.s32 $0xFFFFF000  }
0x134: {  	_ =	sfence.sel $0x180000  }
0x135: {  	[bflag:$0x0] =	sbarrier.arrive $0xFFFF  }
0x136: {  	_ =	strace $0x90000047  }
0x137: {  	s0 =	stileid.u32;
	[bflag:$0x2] =	sbarrier.arrive $0xFFFF  }
0x138: {  	p0 =	sne.s32 s0, $0x0;
	s0 =	rddreg [dreg:$0x5]  }
0x139: {  	s0 =	sadd.s32 @!p0 $0x100000, s0  }
0x13a: {  	[sflag:s0] =	ssyncadd.tile.s32 @!p0 $0x1;
	_ =	shalt  }
.Lfunc_end2:
_tile_overlayer_lowered:
.L_overlay_start_2:
0x13b: {  	(tag) =	ssettag $0x2  }
0x13c: {  	s0 =	rddreg [dreg:$0x0];
	s2 =	stileid.u32  }
0x13d: {  	s1 =	rddreg [dreg:$0x1];
	p0 =	sne.s32 s2, $0x0  }
0x13e: {  	s3 =	rddreg [dreg:$0x2];
	[bflag:$0x3] =	sbarrier.arrive $0xFFFF;
	s2 =	simm.s32 @!p0 $0x1C03  }
0x13f: {  	[timem:s3], [sflag:s2] =	dma.local @!p0 [hbm:s0], s1  }
0x140: {  	s0 =	simm.s32 @!p0 $0x3  }
0x141: {  	_ =	swait.ge @!p0 [sflag:s0], s1  }
0x142: {  	s1 =	ssub.s32 @!p0 $0x0, s1;
	[sflag:s0] =	ssyncset.done @!p0 $0x0  }
0x143: {  	[sflag:s0] =	ssyncadd.s32 @!p0 s1  }
0x144: {  	[bflag:$0x3] =	sbarrier.arrive $0xFFFF  }
0x145: {  	_ =	shalt  }

</sc_bundles>
